<compile_context>
chip_gen: v7x
topology: tpu7x:2x2x1
jax: 0.10.2.dev20260603
libtpu: 0.0.44.dev20260713+nightly
codegen_flags: <defaults>
</compile_context>

<pallas_src>
import functools

import jax
import jax.numpy as jnp
import numpy as np
from jax.experimental import pallas as pl
from jax.experimental.pallas import tpu as pltpu
from jax.experimental.pallas import tpu_sc as plsc

B, S, H, L, NH, DH = 1, 2048, 768, 2, 12, 64
V, TV, FF, BS, NR = 30522, 2, 3072, 64, 3
NB = S // BS
NK = 5 + NR


def _block_layout(nb, num_rand, seed):
    rng = np.random.RandomState(seed)
    idx = np.zeros((nb, 5 + num_rand), np.int32)
    valid = np.ones((nb, 5 + num_rand), np.float32)
    for i in range(nb):
        fixed = [0, nb - 1, (i - 1) % nb, i, (i + 1) % nb]
        rem = sorted(set(range(nb)) - set(fixed))
        r = rng.choice(rem, num_rand, replace=False)
        row = fixed + list(r)
        seen = set()
        for j, c in enumerate(row):
            idx[i, j] = c
            if c in seen:
                valid[i, j] = 0.0
            seen.add(c)
    return idx, valid


_LAYOUTS = [_block_layout(NB, NR, i) for i in range(L)]

_GW = 128
_SPLIT = 3
_NI = S * _SPLIT


def _sc_gather(table, ids):
    mesh = plsc.VectorSubcoreMesh(core_axis_name="c", subcore_axis_name="s")

    @pl.kernel(
        out_type=jax.ShapeDtypeStruct((_NI, H // _SPLIT), table.dtype),
        mesh=mesh,
    )
    def k(x_hbm, i_hbm, o_hbm):
        def body(i_vmem, o_vmem):
            pltpu.sync_copy(x_hbm.at[i_vmem.at[0]], o_vmem)

        pltpu.emit_pipeline(
            body,
            grid=(_NI // _GW,),
            in_specs=[pl.BlockSpec((1, _GW), index_map=lambda i: (0, i))],
            out_specs=[pl.BlockSpec((_GW, H // _SPLIT),
                                    index_map=lambda i: (i, 0))],
            core_axis_name=("c", "s"),
            dimension_semantics=(pltpu.PARALLEL,),
        )(i_hbm, o_hbm)

    return k(table, ids)


def _ln(x, g, b):
    m = jnp.mean(x, -1, keepdims=True)
    v = jnp.mean((x - m) * (x - m), -1, keepdims=True)
    return (x - m) / jnp.sqrt(v + 1e-12) * g + b



_EB = 128


def _embed_body(g_ref, pos_ref, tid_ref, te_ref, gg_ref, bb_ref, o_ref):
    x = g_ref[...] + pos_ref[...]
    cond = tid_ref[...] == 0
    x = x + jnp.where(cond, te_ref[0:1, :], te_ref[1:2, :])
    o_ref[...] = _ln(x, gg_ref[...], bb_ref[...])


def _embed(gathered, pos_emb, type_ids, type_emb, g, b):
    grid = (S // _EB,)
    return pl.pallas_call(
        _embed_body,
        grid=grid,
        in_specs=[
            pl.BlockSpec((_EB, H), lambda i: (i, 0)),
            pl.BlockSpec((_EB, H), lambda i: (i, 0)),
            pl.BlockSpec((_EB, 1), lambda i: (i, 0)),
            pl.BlockSpec((TV, H), lambda i: (0, 0)),
            pl.BlockSpec((1, H), lambda i: (0, 0)),
            pl.BlockSpec((1, H), lambda i: (0, 0)),
        ],
        out_specs=pl.BlockSpec((_EB, H), lambda i: (i, 0)),
        out_shape=jax.ShapeDtypeStruct((S, H), jnp.float32),
    )(gathered, pos_emb, type_ids, type_emb, g, b)



_QB = 256


def _qkv_body(x_ref, w_ref, b_ref, q_ref, kt_ref, v_ref):
    xb = x_ref[...].astype(jnp.bfloat16)
    r = jax.lax.dot_general(
        xb, w_ref[...], (((1,), (0,)), ((), ())),
        preferred_element_type=jnp.float32,
    )
    r = (r + b_ref[...]).astype(jnp.bfloat16)
    for h in range(NH):
        q_ref[h] = r[:, h * DH:(h + 1) * DH]
        v_ref[h] = r[:, 2 * H + h * DH:2 * H + (h + 1) * DH]
        for sb in range(_QB // BS):
            kt_ref[sb, h] = jnp.transpose(
                r[sb * BS:(sb + 1) * BS, H + h * DH:H + (h + 1) * DH])


def _qkv(x, wqkv, bqkv):
    grid = (S // _QB,)
    return pl.pallas_call(
        _qkv_body,
        grid=grid,
        in_specs=[
            pl.BlockSpec((_QB, H), lambda i: (i, 0)),
            pl.BlockSpec((H, 3 * H), lambda i: (0, 0)),
            pl.BlockSpec((1, 3 * H), lambda i: (0, 0)),
        ],
        out_specs=[
            pl.BlockSpec((NH, _QB, DH), lambda i: (0, i, 0)),
            pl.BlockSpec((_QB // BS, NH, DH, BS), lambda i: (i, 0, 0, 0)),
            pl.BlockSpec((NH, _QB, DH), lambda i: (0, i, 0)),
        ],
        out_shape=[
            jax.ShapeDtypeStruct((NH, S, DH), jnp.bfloat16),
            jax.ShapeDtypeStruct((NB, NH, DH, BS), jnp.bfloat16),
            jax.ShapeDtypeStruct((NH, S, DH), jnp.bfloat16),
        ],
    )(x, wqkv, bqkv)




def _attn_body(idx_ref, val_ref, q_ref, kt_ref, v_ref, mask_ref, o_ref,
               kgt_ref, vg_ref):
    n = pl.program_id(0)
    bias_parts = []
    for j in range(NK):
        bi = idx_ref[n * NK + j]
        kgt_ref[:, :, j * BS:(j + 1) * BS] = kt_ref[bi]
        vg_ref[:, j * BS:(j + 1) * BS, :] = v_ref[:, pl.ds(bi * BS, BS), :]
        mv = mask_ref[bi]
        vj = val_ref[n * NK + j].astype(jnp.float32)
        bias_parts.append((1.0 - mv * vj) * (-1e9))
    bias = jnp.concatenate(bias_parts, axis=-1)[None]

    qb = q_ref[...]
    s = jax.lax.dot_general(
        qb, kgt_ref[...], (((2,), (1,)), ((0,), (0,))),
        preferred_element_type=jnp.float32,
    )
    e = jnp.exp(s * 0.125 + bias)
    denom = jnp.sum(e, -1, keepdims=True)
    o3 = jax.lax.dot_general(
        e.astype(jnp.bfloat16), vg_ref[...], (((2,), (1,)), ((0,), (0,))),
        preferred_element_type=jnp.float32,
    )
    o3 = o3 * (1.0 / denom)
    for h in range(NH):
        o_ref[:, h * DH:(h + 1) * DH] = o3[h].astype(jnp.bfloat16)


def _attn(q, kt, v, mask_f, idx_flat, val_flat):
    grid_spec = pltpu.PrefetchScalarGridSpec(
        num_scalar_prefetch=2,
        grid=(NB,),
        in_specs=[
            pl.BlockSpec((NH, BS, DH), lambda n, *_: (0, n, 0)),
            pl.BlockSpec((NB, NH, DH, BS), lambda n, *_: (0, 0, 0, 0)),
            pl.BlockSpec((NH, S, DH), lambda n, *_: (0, 0, 0)),
            pl.BlockSpec((NB, 1, BS), lambda n, *_: (0, 0, 0)),
        ],
        out_specs=pl.BlockSpec((BS, H), lambda n, *_: (n, 0)),
        scratch_shapes=[
            pltpu.VMEM((NH, DH, NK * BS), jnp.bfloat16),
            pltpu.VMEM((NH, NK * BS, DH), jnp.bfloat16),
        ],
    )
    return pl.pallas_call(
        _attn_body,
        grid_spec=grid_spec,
        out_shape=jax.ShapeDtypeStruct((S, H), jnp.bfloat16),
    )(idx_flat, val_flat, q, kt, v, mask_f)




def _projln_body(o_ref, x_ref, w_ref, b_ref, g_ref, bb_ref, out_ref):
    a = jax.lax.dot_general(
        o_ref[...], w_ref[...], (((1,), (0,)), ((), ())),
        preferred_element_type=jnp.float32,
    )
    a = a + b_ref[...] + x_ref[...]
    out_ref[...] = _ln(a, g_ref[...], bb_ref[...])


def _projln(o, x, wo, bo, g, b):
    grid = (S // _QB,)
    return pl.pallas_call(
        _projln_body,
        grid=grid,
        in_specs=[
            pl.BlockSpec((_QB, H), lambda i: (i, 0)),
            pl.BlockSpec((_QB, H), lambda i: (i, 0)),
            pl.BlockSpec((H, H), lambda i: (0, 0)),
            pl.BlockSpec((1, H), lambda i: (0, 0)),
            pl.BlockSpec((1, H), lambda i: (0, 0)),
            pl.BlockSpec((1, H), lambda i: (0, 0)),
        ],
        out_specs=pl.BlockSpec((_QB, H), lambda i: (i, 0)),
        out_shape=jax.ShapeDtypeStruct((S, H), jnp.float32),
    )(o, x, wo, bo, g, b)




def _ffn_body(x_ref, w1_ref, b1_ref, w2_ref, b2_ref, g_ref, bb_ref, out_ref):
    xb = x_ref[...]
    h1 = jax.lax.dot_general(
        xb.astype(jnp.bfloat16), w1_ref[...], (((1,), (0,)), ((), ())),
        preferred_element_type=jnp.float32,
    )
    h1 = jax.nn.gelu(h1 + b1_ref[...])
    f = jax.lax.dot_general(
        h1.astype(jnp.bfloat16), w2_ref[...], (((1,), (0,)), ((), ())),
        preferred_element_type=jnp.float32,
    )
    f = f + b2_ref[...] + xb
    out_ref[...] = _ln(f, g_ref[...], bb_ref[...])


def _ffn(x, w1, b1, w2, b2, g, b):
    grid = (S // _QB,)
    return pl.pallas_call(
        _ffn_body,
        grid=grid,
        in_specs=[
            pl.BlockSpec((_QB, H), lambda i: (i, 0)),
            pl.BlockSpec((H, FF), lambda i: (0, 0)),
            pl.BlockSpec((1, FF), lambda i: (0, 0)),
            pl.BlockSpec((FF, H), lambda i: (0, 0)),
            pl.BlockSpec((1, H), lambda i: (0, 0)),
            pl.BlockSpec((1, H), lambda i: (0, 0)),
            pl.BlockSpec((1, H), lambda i: (0, 0)),
        ],
        out_specs=pl.BlockSpec((_QB, H), lambda i: (i, 0)),
        out_shape=jax.ShapeDtypeStruct((S, H), jnp.float32),
    )(x, w1, b1, w2, b2, g, b)


def kernel(word_ids, mask, type_ids, word_emb, pos_emb, type_emb, ln_emb_g,
           ln_emb_b, Wq, bq, Wk, bk, Wv, bv, Wo, bo, ln1_g, ln1_b, W1, b1,
           W2, b2, ln2_g, ln2_b):
    sub_ids = (word_ids.reshape(S, 1) * _SPLIT
               + jnp.arange(_SPLIT, dtype=jnp.int32)).reshape(1, _NI)
    gathered = _sc_gather(
        word_emb.reshape(V * _SPLIT, H // _SPLIT), sub_ids
    ).reshape(S, H)
    return gathered.reshape(B, S, H)
    x = _embed(
        gathered,
        pos_emb,
        type_ids.reshape(S, 1),
        type_emb,
        ln_emb_g.reshape(1, H),
        ln_emb_b.reshape(1, H),
    )
    mask_f = mask.reshape(NB, 1, BS).astype(jnp.float32)
    return x.reshape(B, S, H)
    for l in range(L):
        idx, valid = _LAYOUTS[l]
        idx_flat = jnp.asarray(idx.reshape(-1), jnp.int32)
        val_flat = jnp.asarray(valid.reshape(-1).astype(np.int32))
        wqkv = jnp.concatenate(
            [Wq[l], Wk[l], Wv[l]], axis=1).astype(jnp.bfloat16)
        bqkv = jnp.concatenate([bq[l], bk[l], bv[l]]).reshape(1, 3 * H)
        q, kt, v = _qkv(x, wqkv, bqkv)
        o = _attn(q, kt, v, mask_f, idx_flat, val_flat)
        x = _projln(
            o, x, Wo[l].astype(jnp.bfloat16), bo[l].reshape(1, H),
            ln1_g[l].reshape(1, H), ln1_b[l].reshape(1, H))
        x = _ffn(
            x, W1[l].astype(jnp.bfloat16), b1[l].reshape(1, FF),
            W2[l].astype(jnp.bfloat16), b2[l].reshape(1, H),
            ln2_g[l].reshape(1, H), ln2_b[l].reshape(1, H))
    return x.reshape(B, S, H)

# --- scband reference (transcript-rebuilt; emitter-appended) ---
"""Pipeline reference for scband-big-bird-encoder-63599875719506 (READ-ONLY COPY).

The authoritative reference and input builder live on the scoring server;
editing this copy changes nothing except your own understanding.
"""

import jax, jax.numpy as jnp
import numpy as np

B, S, H, L, NH, DH = 1, 2048, 768, 2, 12, 64
V, TV, FF, BS, NR = 30522, 2, 3072, 64, 3
NB = S // BS
NK = 5 + NR

def _build_blocks(nb, num_rand, seed):
    rng = np.random.RandomState(seed)
    idx = np.zeros((nb, 5 + num_rand), np.int32)
    valid = np.ones((nb, 5 + num_rand), np.float32)
    for i in range(nb):
        fixed = [0, nb - 1, (i - 1) % nb, i, (i + 1) % nb]
        rem = sorted(set(range(nb)) - set(fixed))
        r = rng.choice(rem, num_rand, replace=False)
        row = fixed + list(r)
        seen = set()
        for j, c in enumerate(row):
            idx[i, j] = c
            if c in seen:
                valid[i, j] = 0.0
            seen.add(c)
    return idx, valid

BLOCKS = [_build_blocks(NB, NR, i) for i in range(L)]

def _ln(x, g, b):
    m = jnp.mean(x, -1, keepdims=True)
    v = jnp.var(x, -1, keepdims=True)
    return (x - m) / jnp.sqrt(v + 1e-12) * g + b

def _bigbird_attn(x, mask_f, Wq, bq, Wk, bk, Wv, bv, Wo, bo, layer):
    idx, valid = BLOCKS[layer]
    def split(t):
        return t.reshape(B, S, NH, DH).transpose(0, 2, 1, 3).reshape(B, NH, NB, BS, DH)
    q = split(x @ Wq + bq)
    k = split(x @ Wk + bk)
    v = split(x @ Wv + bv)
    kb = k[:, :, idx]
    vb = v[:, :, idx]
    scores = jnp.einsum('bhnqd,bhnkcd->bhnqkc', q, kb) / jnp.sqrt(float(DH))
    mb = mask_f.reshape(B, NB, BS)[:, idx]
    mfull = mb * jnp.asarray(valid)[None, :, :, None]
    bias = (1.0 - mfull) * -1e9
    scores = scores + bias[:, None, :, None, :, :]
    p = jax.nn.softmax(scores.reshape(B, NH, NB, BS, NK * BS), -1)
    p = p.reshape(B, NH, NB, BS, NK, BS)
    o = jnp.einsum('bhnqkc,bhnkcd->bhnqd', p, vb)
    o = o.reshape(B, NH, S, DH).transpose(0, 2, 1, 3).reshape(B, S, H)
    return o @ Wo + bo

def setup_inputs(seed: int = 0):
    key = jax.random.key(seed)
    ks = jax.random.split(key, 24)
    n = lambda i, shp: jax.random.normal(ks[i], shp, jnp.float32) * 0.02
    return {
        'word_ids': jax.random.randint(ks[0], (B, S), 0, V, jnp.int32),
        'mask': jnp.ones((B, S), jnp.int32),
        'type_ids': jnp.zeros((B, S), jnp.int32),
        'word_emb': n(1, (V, H)),
        'pos_emb': n(2, (S, H)),
        'type_emb': n(3, (TV, H)),
        'ln_emb_g': jnp.ones((H,), jnp.float32),
        'ln_emb_b': jnp.zeros((H,), jnp.float32),
        'Wq': n(4, (L, H, H)), 'bq': jnp.zeros((L, H), jnp.float32),
        'Wk': n(5, (L, H, H)), 'bk': jnp.zeros((L, H), jnp.float32),
        'Wv': n(6, (L, H, H)), 'bv': jnp.zeros((L, H), jnp.float32),
        'Wo': n(7, (L, H, H)), 'bo': jnp.zeros((L, H), jnp.float32),
        'ln1_g': jnp.ones((L, H), jnp.float32), 'ln1_b': jnp.zeros((L, H), jnp.float32),
        'W1': n(8, (L, H, FF)), 'b1': jnp.zeros((L, FF), jnp.float32),
        'W2': n(9, (L, FF, H)), 'b2': jnp.zeros((L, H), jnp.float32),
        'ln2_g': jnp.ones((L, H), jnp.float32), 'ln2_b': jnp.zeros((L, H), jnp.float32),
    }

def reference(word_ids, mask, type_ids, word_emb, pos_emb, type_emb, ln_emb_g, ln_emb_b, Wq, bq, Wk, bk, Wv, bv, Wo, bo, ln1_g, ln1_b, W1, b1, W2, b2, ln2_g, ln2_b):
    mask_f = mask.astype(jnp.float32)
    x = word_emb[word_ids] + pos_emb[None, :S] + type_emb[type_ids]
    x = _ln(x, ln_emb_g, ln_emb_b)
    for l in range(L):
        a = _bigbird_attn(x, mask_f, Wq[l], bq[l], Wk[l], bk[l], Wv[l], bv[l], Wo[l], bo[l], l)
        x = _ln(x + a, ln1_g[l], ln1_b[l])
        h = jax.nn.gelu(x @ W1[l] + b1[l])
        f = h @ W2[l] + b2[l]
        x = _ln(x + f, ln2_g[l], ln2_b[l])
    return x

if __name__ == "__main__":
    import jax
    _d = setup_inputs()
    print(jax.jit(kernel)(*tuple(_d.values())))

</pallas_src>

<mosaic_0001>
#map = affine_map<(d0, d1) -> (0, 0)>
module attributes {stable_mosaic.version = 14 : i64} {
  func.func @k(%arg0: i32, %arg1: i32, %arg2: memref<91566x256xf32, #tpu.memory_space<hbm>>, %arg3: memref<1x6144xi32, #tpu.memory_space<hbm>>, %arg4: memref<6144x256xf32, #tpu.memory_space<hbm>>) attributes {dimension_semantics = [#tpu.dimension_semantics<core_parallel>, #tpu.dimension_semantics<subcore_parallel>], iteration_bounds = array<i64: 2, 16>, scalar_prefetch = 0 : i64, scratch_operands = 0 : i64, tpu.core_type = #tpu.core_type<sc_vector_subcore>, window_params = [{transform_indices = #map}, {transform_indices = #map}, {transform_indices = #map}]} {
    %mul3A = arith.constant 1 : i32
    %mul3A_0 = arith.muli %arg1, %mul3A : i32
    %add3A = arith.constant 0 : i32
    %add3A_1 = arith.addi %add3A, %mul3A_0 : i32
    %mul3A_2 = arith.constant 16 : i32
    %mul3A_3 = arith.muli %arg0, %mul3A_2 : i32
    %add3A_4 = arith.addi %add3A_1, %mul3A_3 : i32
    %lt3A = arith.constant 16 : i32
    %lt3A_5 = arith.cmpi slt, %add3A_4, %lt3A : i32
    %jit3A = arith.constant 2 : i32
    %jit3A_6 = arith.constant 1 : i32
    %select_n3A = arith.select %lt3A_5, %jit3A, %jit3A_6 : i32
    %lt3A_7 = arith.constant 16 : i32
    %lt3A_8 = arith.cmpi slt, %add3A_4, %lt3A_7 : i32
    %mul3A_9 = arith.muli %add3A_4, %select_n3A : i32
    %mul3A_10 = arith.constant 1 : i32
    %mul3A_11 = arith.muli %add3A_4, %mul3A_10 : i32
    %add3A_12 = arith.constant 16 : i32
    %add3A_13 = arith.addi %mul3A_11, %add3A_12 : i32
    %select_n3A_14 = arith.select %lt3A_8, %mul3A_9, %add3A_13 : i32
    %mul3A_15 = arith.constant 1 : i32
    %mul3A_16 = arith.muli %mul3A_15, %select_n3A : i32
    "tpu.region"() ({
      %run_scoped3A = memref.alloca() : memref<2x1x128xi32, #tpu.memory_space<vmem>>
      %run_scoped3A_17 = tpu.sem_alloc : memref<2x!tpu.dma_semaphore, #tpu.memory_space<semaphore_mem>>
      %run_scoped3A_18 = memref.alloca() : memref<2x128x256xf32, #tpu.memory_space<vmem>>
      %run_scoped3A_19 = tpu.sem_alloc : memref<2x!tpu.dma_semaphore, #tpu.memory_space<semaphore_mem>>
      %gt3A = arith.constant 0 : i32
      %gt3A_20 = arith.cmpi sgt, %mul3A_16, %gt3A : i32
      %convert_element_type3A = arith.extui %gt3A_20 : i1 to i32
      %cond3A = arith.constant 0 : i32
      %cond3A_21 = arith.cmpi ne, %convert_element_type3A, %cond3A : i32
      scf.if %cond3A_21 {
        %mul3A_22 = arith.constant 1 : i32
        %mul3A_23 = arith.muli %mul3A_22, %select_n3A : i32
        %sub3A = arith.constant 1 : i32
        %sub3A_24 = arith.subi %mul3A_23, %sub3A : i32
        %eq3A = arith.constant 0 : i32
        %eq3A_25 = arith.cmpi eq, %sub3A_24, %eq3A : i32
        %add3A_26 = arith.constant 0 : i32
        %add3A_27 = arith.addi %add3A_26, %select_n3A_14 : i32
        %select_n3A_28 = arith.constant true
        %select_n3A_29 = arith.constant 0 : i32
        %select_n3A_30 = arith.constant -1 : i32
        %select_n3A_31 = arith.select %select_n3A_28, %select_n3A_30, %select_n3A_29 : i32
        %eq3A_32 = arith.constant -1 : i32
        %eq3A_33 = arith.cmpi eq, %select_n3A_31, %eq3A_32 : i32
        %sub3A_34 = arith.constant 1 : i32
        %sub3A_35 = arith.subi %select_n3A, %sub3A_34 : i32
        %select_n3A_36 = arith.select %eq3A_33, %sub3A_35, %select_n3A_31 : i32
        %add3A_37 = arith.addi %select_n3A_36, %select_n3A_14 : i32
        %select_n3A_38 = arith.constant true
        %select_n3A_39 = arith.constant 0 : i32
        %select_n3A_40 = arith.constant 1 : i32
        %select_n3A_41 = arith.select %select_n3A_38, %select_n3A_40, %select_n3A_39 : i32
        %eq3A_42 = arith.cmpi eq, %select_n3A_41, %select_n3A : i32
        %select_n3A_43 = arith.constant 0 : i32
        %select_n3A_44 = arith.select %eq3A_42, %select_n3A_43, %select_n3A_41 : i32
        %add3A_45 = arith.addi %select_n3A_44, %select_n3A_14 : i32
        %add3A_46 = arith.constant 1 : i32
        %add3A_47 = arith.addi %select_n3A_44, %add3A_46 : i32
        %select_n3A_48 = arith.constant true
        %select_n3A_49 = arith.select %select_n3A_48, %add3A_47, %select_n3A_44 : i32
        %eq3A_50 = arith.cmpi eq, %select_n3A_49, %select_n3A : i32
        %select_n3A_51 = arith.constant 0 : i32
        %select_n3A_52 = arith.select %eq3A_50, %select_n3A_51, %select_n3A_49 : i32
        %add3A_53 = arith.addi %select_n3A_52, %select_n3A_14 : i32
        "tpu.trace_start"() <{level = 10 : i32, message = "ep_initialize_0"}> : () -> ()
        %rem3A = arith.constant 0 : i32
        %rem3A_54 = arith.constant 2 : i32
        %rem3A_55 = arith.remui %rem3A, %rem3A_54 : i32
        %mul3A_56 = arith.constant 128 : i32
        %mul3A_57 = arith.muli %mul3A_56, %add3A_27 : i32
        %dma_start3A = arith.constant 0 : i32
        %dma_start3A_58 = arith.constant 0 : i32
        %dma_start3A_59 = tpu.memref_slice %run_scoped3A[%rem3A_55, %dma_start3A, %dma_start3A_58] : memref<2x1x128xi32, #tpu.memory_space<vmem>> -> memref<1x1x128xi32, #tpu.memory_space<vmem>>
        %dma_start3A_60 = tpu.memref_squeeze %dma_start3A_59 : memref<1x1x128xi32, #tpu.memory_space<vmem>> -> memref<1x128xi32, #tpu.memory_space<vmem>>
        %dma_start3A_61 = arith.constant 0 : i32
        %dma_start3A_62 = tpu.memref_slice %arg3[%dma_start3A_61, %mul3A_57] : memref<1x6144xi32, #tpu.memory_space<hbm>> -> memref<1x128xi32, #tpu.memory_space<hbm>>
        %dma_start3A_63 = tpu.memref_slice %run_scoped3A_17[%rem3A_55] : memref<2x!tpu.dma_semaphore, #tpu.memory_space<semaphore_mem>> -> memref<1x!tpu.dma_semaphore, #tpu.memory_space<semaphore_mem>>
        %dma_start3A_64 = tpu.memref_squeeze %dma_start3A_63 : memref<1x!tpu.dma_semaphore, #tpu.memory_space<semaphore_mem>> -> memref<!tpu.dma_semaphore, #tpu.memory_space<semaphore_mem>>
        %dma_start3A_65 = arith.constant 0 : i32
        %dma_start3A_66 = arith.constant 0 : i32
        %dma_start3A_67 = tpu.memref_slice %run_scoped3A[%rem3A_55, %dma_start3A_65, %dma_start3A_66] : memref<2x1x128xi32, #tpu.memory_space<vmem>> -> memref<1x1x128xi32, #tpu.memory_space<vmem>>
        %dma_start3A_68 = tpu.memref_squeeze %dma_start3A_67 : memref<1x1x128xi32, #tpu.memory_space<vmem>> -> memref<1x128xi32, #tpu.memory_space<vmem>>
        %dma_start3A_69 = arith.constant 0 : i32
        %dma_start3A_70 = tpu.memref_slice %arg3[%dma_start3A_69, %mul3A_57] : memref<1x6144xi32, #tpu.memory_space<hbm>> -> memref<1x128xi32, #tpu.memory_space<hbm>>
        tpu.enqueue_dma source(%dma_start3A_70 : memref<1x128xi32, #tpu.memory_space<hbm>>) target(%dma_start3A_68 : memref<1x128xi32, #tpu.memory_space<vmem>>) target_semaphore(%dma_start3A_64 : memref<!tpu.dma_semaphore, #tpu.memory_space<semaphore_mem>>)
        %add3A_71 = arith.constant 0 : i32
        %add3A_72 = arith.constant 1 : i32
        %add3A_73 = arith.addi %add3A_71, %add3A_72 : i32
        %select_n3A_74 = arith.constant true
        %select_n3A_75 = arith.constant 0 : i32
        %select_n3A_76 = arith.select %select_n3A_74, %add3A_73, %select_n3A_75 : i32
        %while3A = arith.constant 0 : i32
        %while3A_77 = arith.constant 0 : i32
        %while3A_78 = arith.constant 0 : i32
        %while3A_79 = arith.constant 0 : i32
        %while3A_80 = arith.constant 0 : i32
        "tpu.trace_stop"() : () -> ()
        %while3A_81 = arith.subi %mul3A_16, %while3A : i32
        %while3A_82 = arith.addi %while3A, %while3A_81 : i32
        %while3A_83 = arith.constant 1 : i32
        %while3A_84 = arith.divsi %while3A_81, %while3A_83 : i32
        %while3A_85 = arith.muli %while3A_84, %while3A_83 : i32
        %while3A_86 = arith.addi %while3A, %while3A_85 : i32
        %while3A_87 = arith.constant 1 : i32
        %while3A_88:5 = scf.for %while3A_142 = %while3A to %while3A_86 step %while3A_87 iter_args(%while3A_143 = %select_n3A_76, %while3A_144 = %while3A_77, %while3A_145 = %while3A_78, %while3A_146 = %while3A_79, %while3A_147 = %while3A_80) -> (i32, i32, i32, i32, i32)  : i32 {
          %mul3A_148 = arith.constant 1 : i32
          %mul3A_149 = arith.muli %mul3A_148, %select_n3A : i32
          %eq3A_150 = arith.constant 0 : i32
          %eq3A_151 = arith.cmpi eq, %while3A_142, %eq3A_150 : i32
          %sub3A_152 = arith.constant 1 : i32
          %sub3A_153 = arith.subi %mul3A_149, %sub3A_152 : i32
          %eq3A_154 = arith.cmpi eq, %while3A_142, %sub3A_153 : i32
          %add3A_155 = arith.addi %while3A_147, %select_n3A_14 : i32
          %sub3A_156 = arith.constant 1 : i32
          %sub3A_157 = arith.subi %while3A_147, %sub3A_156 : i32
          %select_n3A_158 = arith.constant true
          %select_n3A_159 = arith.select %select_n3A_158, %sub3A_157, %while3A_147 : i32
          %eq3A_160 = arith.constant -1 : i32
          %eq3A_161 = arith.cmpi eq, %select_n3A_159, %eq3A_160 : i32
          %sub3A_162 = arith.constant 1 : i32
          %sub3A_163 = arith.subi %select_n3A, %sub3A_162 : i32
          %select_n3A_164 = arith.select %eq3A_161, %sub3A_163, %select_n3A_159 : i32
          %add3A_165 = arith.addi %select_n3A_164, %select_n3A_14 : i32
          %add3A_166 = arith.constant 1 : i32
          %add3A_167 = arith.addi %while3A_147, %add3A_166 : i32
          %select_n3A_168 = arith.constant true
          %select_n3A_169 = arith.select %select_n3A_168, %add3A_167, %while3A_147 : i32
          %eq3A_170 = arith.cmpi eq, %select_n3A_169, %select_n3A : i32
          %select_n3A_171 = arith.constant 0 : i32
          %select_n3A_172 = arith.select %eq3A_170, %select_n3A_171, %select_n3A_169 : i32
          %add3A_173 = arith.addi %select_n3A_172, %select_n3A_14 : i32
          %add3A_174 = arith.constant 1 : i32
          %add3A_175 = arith.addi %select_n3A_172, %add3A_174 : i32
          %select_n3A_176 = arith.constant true
          %select_n3A_177 = arith.select %select_n3A_176, %add3A_175, %select_n3A_172 : i32
          %eq3A_178 = arith.cmpi eq, %select_n3A_177, %select_n3A : i32
          %select_n3A_179 = arith.constant 0 : i32
          %select_n3A_180 = arith.select %eq3A_178, %select_n3A_179, %select_n3A_177 : i32
          %add3A_181 = arith.addi %select_n3A_180, %select_n3A_14 : i32
          %ne3A = arith.cmpi ne, %add3A_155, %add3A_173 : i32
          %or3A = arith.constant false
          %or3A_182 = arith.ori %or3A, %ne3A : i1
          %sub3A_183 = arith.constant 2 : i32
          %sub3A_184 = arith.subi %mul3A_149, %sub3A_183 : i32
          %add3A_185 = arith.constant 1 : i32
          %add3A_186 = arith.addi %sub3A_184, %add3A_185 : i32
          %ge3A = arith.cmpi sge, %while3A_142, %add3A_186 : i32
          %not3A = arith.constant true
          %not3A_187 = arith.xori %ge3A, %not3A : i1
          %and3A = arith.andi %or3A_182, %not3A_187 : i1
          %convert_element_type3A_188 = arith.extui %and3A : i1 to i32
          %cond3A_189 = arith.constant 0 : i32
          %cond3A_190 = arith.cmpi ne, %convert_element_type3A_188, %cond3A_189 : i32
          scf.if %cond3A_190 {
            "tpu.trace_start"() <{level = 10 : i32, message = "ep_copy_in"}> : () -> ()
            %rem3A_294 = arith.constant 2 : i32
            %rem3A_295 = arith.remui %while3A_143, %rem3A_294 : i32
            %mul3A_296 = arith.constant 128 : i32
            %mul3A_297 = arith.muli %mul3A_296, %add3A_173 : i32
            %dma_start3A_298 = arith.constant 0 : i32
            %dma_start3A_299 = arith.constant 0 : i32
            %dma_start3A_300 = tpu.memref_slice %run_scoped3A[%rem3A_295, %dma_start3A_298, %dma_start3A_299] : memref<2x1x128xi32, #tpu.memory_space<vmem>> -> memref<1x1x128xi32, #tpu.memory_space<vmem>>
            %dma_start3A_301 = tpu.memref_squeeze %dma_start3A_300 : memref<1x1x128xi32, #tpu.memory_space<vmem>> -> memref<1x128xi32, #tpu.memory_space<vmem>>
            %dma_start3A_302 = arith.constant 0 : i32
            %dma_start3A_303 = tpu.memref_slice %arg3[%dma_start3A_302, %mul3A_297] : memref<1x6144xi32, #tpu.memory_space<hbm>> -> memref<1x128xi32, #tpu.memory_space<hbm>>
            %dma_start3A_304 = tpu.memref_slice %run_scoped3A_17[%rem3A_295] : memref<2x!tpu.dma_semaphore, #tpu.memory_space<semaphore_mem>> -> memref<1x!tpu.dma_semaphore, #tpu.memory_space<semaphore_mem>>
            %dma_start3A_305 = tpu.memref_squeeze %dma_start3A_304 : memref<1x!tpu.dma_semaphore, #tpu.memory_space<semaphore_mem>> -> memref<!tpu.dma_semaphore, #tpu.memory_space<semaphore_mem>>
            %dma_start3A_306 = arith.constant 0 : i32
            %dma_start3A_307 = arith.constant 0 : i32
            %dma_start3A_308 = tpu.memref_slice %run_scoped3A[%rem3A_295, %dma_start3A_306, %dma_start3A_307] : memref<2x1x128xi32, #tpu.memory_space<vmem>> -> memref<1x1x128xi32, #tpu.memory_space<vmem>>
            %dma_start3A_309 = tpu.memref_squeeze %dma_start3A_308 : memref<1x1x128xi32, #tpu.memory_space<vmem>> -> memref<1x128xi32, #tpu.memory_space<vmem>>
            %dma_start3A_310 = arith.constant 0 : i32
            %dma_start3A_311 = tpu.memref_slice %arg3[%dma_start3A_310, %mul3A_297] : memref<1x6144xi32, #tpu.memory_space<hbm>> -> memref<1x128xi32, #tpu.memory_space<hbm>>
            tpu.enqueue_dma source(%dma_start3A_311 : memref<1x128xi32, #tpu.memory_space<hbm>>) target(%dma_start3A_309 : memref<1x128xi32, #tpu.memory_space<vmem>>) target_semaphore(%dma_start3A_305 : memref<!tpu.dma_semaphore, #tpu.memory_space<semaphore_mem>>)
            "tpu.trace_stop"() : () -> ()
          } else {
          }
          %and3A_191 = arith.constant true
          %and3A_192 = arith.andi %and3A, %and3A_191 : i1
          %add3A_193 = arith.constant 1 : i32
          %add3A_194 = arith.addi %while3A_143, %add3A_193 : i32
          %select_n3A_195 = arith.select %and3A_192, %add3A_194, %while3A_143 : i32
          %ne3A_196 = arith.cmpi ne, %add3A_155, %add3A_173 : i32
          %or3A_197 = arith.constant false
          %or3A_198 = arith.ori %or3A_197, %ne3A_196 : i1
          %or3A_199 = arith.constant false
          %or3A_200 = arith.ori %or3A_198, %or3A_199 : i1
          %sub3A_201 = arith.constant 2 : i32
          %sub3A_202 = arith.subi %mul3A_149, %sub3A_201 : i32
          %add3A_203 = arith.constant 1 : i32
          %add3A_204 = arith.addi %sub3A_202, %add3A_203 : i32
          %ge3A_205 = arith.cmpi sge, %while3A_142, %add3A_204 : i32
          %not3A_206 = arith.constant true
          %not3A_207 = arith.xori %ge3A_205, %not3A_206 : i1
          %and3A_208 = arith.andi %or3A_200, %not3A_207 : i1
          %ne3A_209 = arith.cmpi ne, %add3A_155, %add3A_165 : i32
          %or3A_210 = arith.constant false
          %or3A_211 = arith.ori %or3A_210, %ne3A_209 : i1
          %or3A_212 = arith.ori %or3A_211, %eq3A_151 : i1
          %convert_element_type3A_213 = arith.extui %or3A_212 : i1 to i32
          %cond3A_214 = arith.constant 0 : i32
          %cond3A_215 = arith.cmpi ne, %convert_element_type3A_213, %cond3A_214 : i32
          scf.if %cond3A_215 {
            "tpu.trace_start"() <{level = 10 : i32, message = "ep_wait_in"}> : () -> ()
            %mul3A_294 = arith.constant 128 : i32
            %mul3A_295 = arith.muli %mul3A_294, %add3A_155 : i32
            %rem3A_296 = arith.constant 2 : i32
            %rem3A_297 = arith.remui %while3A_144, %rem3A_296 : i32
            %dma_wait3A = arith.constant 0 : i32
            %dma_wait3A_298 = arith.constant 0 : i32
            %dma_wait3A_299 = tpu.memref_slice %run_scoped3A[%rem3A_297, %dma_wait3A, %dma_wait3A_298] : memref<2x1x128xi32, #tpu.memory_space<vmem>> -> memref<1x1x128xi32, #tpu.memory_space<vmem>>
            %dma_wait3A_300 = tpu.memref_squeeze %dma_wait3A_299 : memref<1x1x128xi32, #tpu.memory_space<vmem>> -> memref<1x128xi32, #tpu.memory_space<vmem>>
            %dma_wait3A_301 = arith.constant 0 : i32
            %dma_wait3A_302 = tpu.memref_slice %arg3[%dma_wait3A_301, %mul3A_295] : memref<1x6144xi32, #tpu.memory_space<hbm>> -> memref<1x128xi32, #tpu.memory_space<hbm>>
            %dma_wait3A_303 = tpu.memref_slice %run_scoped3A_17[%rem3A_297] : memref<2x!tpu.dma_semaphore, #tpu.memory_space<semaphore_mem>> -> memref<1x!tpu.dma_semaphore, #tpu.memory_space<semaphore_mem>>
            %dma_wait3A_304 = tpu.memref_squeeze %dma_wait3A_303 : memref<1x!tpu.dma_semaphore, #tpu.memory_space<semaphore_mem>> -> memref<!tpu.dma_semaphore, #tpu.memory_space<semaphore_mem>>
            %dma_wait3A_305 = arith.constant 0 : i32
            %dma_wait3A_306 = arith.constant 0 : i32
            %dma_wait3A_307 = tpu.memref_slice %run_scoped3A[%rem3A_297, %dma_wait3A_305, %dma_wait3A_306] : memref<2x1x128xi32, #tpu.memory_space<vmem>> -> memref<1x1x128xi32, #tpu.memory_space<vmem>>
            %dma_wait3A_308 = tpu.memref_squeeze %dma_wait3A_307 : memref<1x1x128xi32, #tpu.memory_space<vmem>> -> memref<1x128xi32, #tpu.memory_space<vmem>>
            %dma_wait3A_309 = arith.constant 0 : i32
            %dma_wait3A_310 = tpu.memref_slice %arg3[%dma_wait3A_309, %mul3A_295] : memref<1x6144xi32, #tpu.memory_space<hbm>> -> memref<1x128xi32, #tpu.memory_space<hbm>>
            tpu.wait_dma2 semaphore(%dma_wait3A_304 : memref<!tpu.dma_semaphore, #tpu.memory_space<semaphore_mem>>) src(%dma_wait3A_310 : memref<1x128xi32, #tpu.memory_space<hbm>>) dst(%dma_wait3A_308 : memref<1x128xi32, #tpu.memory_space<vmem>>)
            "tpu.trace_stop"() : () -> ()
          } else {
          }
          %ne3A_216 = arith.cmpi ne, %add3A_155, %add3A_165 : i32
          %or3A_217 = arith.constant false
          %or3A_218 = arith.ori %or3A_217, %ne3A_216 : i1
          %or3A_219 = arith.constant false
          %or3A_220 = arith.ori %or3A_218, %or3A_219 : i1
          %or3A_221 = arith.ori %or3A_220, %eq3A_151 : i1
          %convert_element_type3A_222 = arith.extui %or3A_221 : i1 to i32
          %cond3A_223 = arith.constant 0 : i32
          %cond3A_224 = arith.cmpi ne, %convert_element_type3A_222, %cond3A_223 : i32
          scf.if %cond3A_224 {
          } else {
          }
          %rem3A_225 = arith.constant 2 : i32
          %rem3A_226 = arith.remui %while3A_144, %rem3A_225 : i32
          %rem3A_227 = arith.constant 2 : i32
          %rem3A_228 = arith.remui %while3A_145, %rem3A_227 : i32
          %run_scoped3A_229 = arith.constant 0 : i32
          "tpu.trace_start"() <{level = 10 : i32, message = "ep_run_kernel"}> : () -> ()
          "tpu.region"() ({
            %run_scoped3A_294 = tpu.sem_alloc : memref<!tpu.dma_semaphore, #tpu.memory_space<semaphore_mem>>
            %dma_start3A_295 = arith.constant 0 : i32
            %dma_start3A_296 = arith.constant 0 : i32
            %dma_start3A_297 = tpu.memref_slice %run_scoped3A_18[%rem3A_228, %dma_start3A_295, %dma_start3A_296] : memref<2x128x256xf32, #tpu.memory_space<vmem>> -> memref<1x128x256xf32, #tpu.memory_space<vmem>>
            %dma_start3A_298 = tpu.memref_squeeze %dma_start3A_297 : memref<1x128x256xf32, #tpu.memory_space<vmem>> -> memref<128x256xf32, #tpu.memory_space<vmem>>
            %dma_start3A_299 = arith.constant 0 : i32
            %dma_start3A_300 = arith.constant 0 : i32
            %dma_start3A_301 = tpu.memref_slice %run_scoped3A[%rem3A_226, %dma_start3A_299, %dma_start3A_300] : memref<2x1x128xi32, #tpu.memory_space<vmem>> -> memref<1x1x128xi32, #tpu.memory_space<vmem>>
            %dma_start3A_302 = tpu.memref_squeeze %dma_start3A_301 : memref<1x1x128xi32, #tpu.memory_space<vmem>> -> memref<1x128xi32, #tpu.memory_space<vmem>>
            %dma_start3A_303 = arith.constant 0 : i32
            %dma_start3A_304 = tpu.memref_slice %dma_start3A_302[%run_scoped3A_229, %dma_start3A_303] : memref<1x128xi32, #tpu.memory_space<vmem>> -> memref<1x128xi32, #tpu.memory_space<vmem>>
            %dma_start3A_305 = tpu.memref_squeeze %dma_start3A_304 : memref<1x128xi32, #tpu.memory_space<vmem>> -> memref<128xi32, #tpu.memory_space<vmem>>
            %dma_start3A_306 = arith.constant 0 : i32
            %dma_start3A_307 = arith.constant 0 : i32
            %dma_start3A_308 = tpu.memref_slice %arg2[%dma_start3A_306, %dma_start3A_307] : memref<91566x256xf32, #tpu.memory_space<hbm>> -> memref<91566x256xf32, #tpu.memory_space<hbm>>
            tpu.enqueue_indirect_dma source(%dma_start3A_308 : memref<91566x256xf32, #tpu.memory_space<hbm>>) target(%dma_start3A_298 : memref<128x256xf32, #tpu.memory_space<vmem>>) offsets(%dma_start3A_305 : memref<128xi32, #tpu.memory_space<vmem>>) semaphore(%run_scoped3A_294 : memref<!tpu.dma_semaphore, #tpu.memory_space<semaphore_mem>>)
            %dma_wait3A = arith.constant 0 : i32
            %dma_wait3A_309 = arith.constant 0 : i32
            %dma_wait3A_310 = tpu.memref_slice %run_scoped3A_18[%rem3A_228, %dma_wait3A, %dma_wait3A_309] : memref<2x128x256xf32, #tpu.memory_space<vmem>> -> memref<1x128x256xf32, #tpu.memory_space<vmem>>
            %dma_wait3A_311 = tpu.memref_squeeze %dma_wait3A_310 : memref<1x128x256xf32, #tpu.memory_space<vmem>> -> memref<128x256xf32, #tpu.memory_space<vmem>>
            %dma_wait3A_312 = arith.constant 0 : i32
            %dma_wait3A_313 = arith.constant 0 : i32
            %dma_wait3A_314 = tpu.memref_slice %run_scoped3A[%rem3A_226, %dma_wait3A_312, %dma_wait3A_313] : memref<2x1x128xi32, #tpu.memory_space<vmem>> -> memref<1x1x128xi32, #tpu.memory_space<vmem>>
            %dma_wait3A_315 = tpu.memref_squeeze %dma_wait3A_314 : memref<1x1x128xi32, #tpu.memory_space<vmem>> -> memref<1x128xi32, #tpu.memory_space<vmem>>
            %dma_wait3A_316 = arith.constant 0 : i32
            %dma_wait3A_317 = tpu.memref_slice %dma_wait3A_315[%run_scoped3A_229, %dma_wait3A_316] : memref<1x128xi32, #tpu.memory_space<vmem>> -> memref<1x128xi32, #tpu.memory_space<vmem>>
            %dma_wait3A_318 = tpu.memref_squeeze %dma_wait3A_317 : memref<1x128xi32, #tpu.memory_space<vmem>> -> memref<128xi32, #tpu.memory_space<vmem>>
            %dma_wait3A_319 = arith.constant 0 : i32
            %dma_wait3A_320 = arith.constant 0 : i32
            %dma_wait3A_321 = tpu.memref_slice %arg2[%dma_wait3A_319, %dma_wait3A_320] : memref<91566x256xf32, #tpu.memory_space<hbm>> -> memref<91566x256xf32, #tpu.memory_space<hbm>>
            tpu.wait_indirect_dma semaphore(%run_scoped3A_294 : memref<!tpu.dma_semaphore, #tpu.memory_space<semaphore_mem>>) src(%dma_wait3A_321 : memref<91566x256xf32, #tpu.memory_space<hbm>>) dst(%dma_wait3A_311 : memref<128x256xf32, #tpu.memory_space<vmem>>)
            tpu.yield
          }) : () -> ()
          "tpu.trace_stop"() : () -> ()
          %ne3A_230 = arith.cmpi ne, %add3A_155, %add3A_173 : i32
          %or3A_231 = arith.constant false
          %or3A_232 = arith.ori %or3A_231, %ne3A_230 : i1
          %or3A_233 = arith.ori %or3A_232, %eq3A_154 : i1
          %convert_element_type3A_234 = arith.extui %or3A_233 : i1 to i32
          %cond3A_235 = arith.constant 0 : i32
          %cond3A_236 = arith.cmpi ne, %convert_element_type3A_234, %cond3A_235 : i32
          scf.if %cond3A_236 {
          } else {
          }
          %and3A_237 = arith.constant false
          %and3A_238 = arith.andi %or3A_233, %and3A_237 : i1
          %ne3A_239 = arith.cmpi ne, %add3A_155, %add3A_173 : i32
          %or3A_240 = arith.constant false
          %or3A_241 = arith.ori %or3A_240, %ne3A_239 : i1
          %or3A_242 = arith.constant false
          %or3A_243 = arith.ori %or3A_241, %or3A_242 : i1
          %or3A_244 = arith.ori %or3A_243, %eq3A_154 : i1
          %convert_element_type3A_245 = arith.extui %or3A_244 : i1 to i32
          %cond3A_246 = arith.constant 0 : i32
          %cond3A_247 = arith.cmpi ne, %convert_element_type3A_245, %cond3A_246 : i32
          scf.if %cond3A_247 {
            "tpu.trace_start"() <{level = 10 : i32, message = "ep_copy_out"}> : () -> ()
            %rem3A_294 = arith.constant 2 : i32
            %rem3A_295 = arith.remui %while3A_145, %rem3A_294 : i32
            %mul3A_296 = arith.constant 128 : i32
            %mul3A_297 = arith.muli %mul3A_296, %add3A_155 : i32
            %dma_start3A_298 = arith.constant 0 : i32
            %dma_start3A_299 = arith.constant 0 : i32
            %dma_start3A_300 = tpu.memref_slice %run_scoped3A_18[%rem3A_295, %dma_start3A_298, %dma_start3A_299] : memref<2x128x256xf32, #tpu.memory_space<vmem>> -> memref<1x128x256xf32, #tpu.memory_space<vmem>>
            %dma_start3A_301 = tpu.memref_squeeze %dma_start3A_300 : memref<1x128x256xf32, #tpu.memory_space<vmem>> -> memref<128x256xf32, #tpu.memory_space<vmem>>
            %dma_start3A_302 = arith.constant 0 : i32
            %dma_start3A_303 = tpu.memref_slice %arg4[%mul3A_297, %dma_start3A_302] : memref<6144x256xf32, #tpu.memory_space<hbm>> -> memref<128x256xf32, #tpu.memory_space<hbm>>
            %dma_start3A_304 = tpu.memref_slice %run_scoped3A_19[%rem3A_295] : memref<2x!tpu.dma_semaphore, #tpu.memory_space<semaphore_mem>> -> memref<1x!tpu.dma_semaphore, #tpu.memory_space<semaphore_mem>>
            %dma_start3A_305 = tpu.memref_squeeze %dma_start3A_304 : memref<1x!tpu.dma_semaphore, #tpu.memory_space<semaphore_mem>> -> memref<!tpu.dma_semaphore, #tpu.memory_space<semaphore_mem>>
            %dma_start3A_306 = arith.constant 0 : i32
            %dma_start3A_307 = tpu.memref_slice %arg4[%mul3A_297, %dma_start3A_306] : memref<6144x256xf32, #tpu.memory_space<hbm>> -> memref<128x256xf32, #tpu.memory_space<hbm>>
            %dma_start3A_308 = arith.constant 0 : i32
            %dma_start3A_309 = arith.constant 0 : i32
            %dma_start3A_310 = tpu.memref_slice %run_scoped3A_18[%rem3A_295, %dma_start3A_308, %dma_start3A_309] : memref<2x128x256xf32, #tpu.memory_space<vmem>> -> memref<1x128x256xf32, #tpu.memory_space<vmem>>
            %dma_start3A_311 = tpu.memref_squeeze %dma_start3A_310 : memref<1x128x256xf32, #tpu.memory_space<vmem>> -> memref<128x256xf32, #tpu.memory_space<vmem>>
            tpu.enqueue_dma source(%dma_start3A_311 : memref<128x256xf32, #tpu.memory_space<vmem>>) target(%dma_start3A_307 : memref<128x256xf32, #tpu.memory_space<hbm>>) target_semaphore(%dma_start3A_305 : memref<!tpu.dma_semaphore, #tpu.memory_space<semaphore_mem>>)
            "tpu.trace_stop"() : () -> ()
          } else {
          }
          %and3A_248 = arith.constant true
          %and3A_249 = arith.andi %or3A_244, %and3A_248 : i1
          %add3A_250 = arith.constant 1 : i32
          %add3A_251 = arith.addi %while3A_145, %add3A_250 : i32
          %select_n3A_252 = arith.select %and3A_249, %add3A_251, %while3A_145 : i32
          %ne3A_253 = arith.cmpi ne, %add3A_155, %add3A_165 : i32
          %or3A_254 = arith.constant false
          %or3A_255 = arith.ori %or3A_254, %ne3A_253 : i1
          %not3A_256 = arith.constant true
          %not3A_257 = arith.xori %eq3A_151, %not3A_256 : i1
          %and3A_258 = arith.andi %or3A_255, %not3A_257 : i1
          %convert_element_type3A_259 = arith.extui %and3A_258 : i1 to i32
          %cond3A_260 = arith.constant 0 : i32
          %cond3A_261 = arith.cmpi ne, %convert_element_type3A_259, %cond3A_260 : i32
          scf.if %cond3A_261 {
          } else {
          }
          %and3A_262 = arith.constant false
          %and3A_263 = arith.andi %and3A_258, %and3A_262 : i1
          %ne3A_264 = arith.cmpi ne, %add3A_155, %add3A_165 : i32
          %or3A_265 = arith.constant false
          %or3A_266 = arith.ori %or3A_265, %ne3A_264 : i1
          %or3A_267 = arith.constant false
          %or3A_268 = arith.ori %or3A_266, %or3A_267 : i1
          %not3A_269 = arith.constant true
          %not3A_270 = arith.xori %eq3A_151, %not3A_269 : i1
          %and3A_271 = arith.andi %or3A_268, %not3A_270 : i1
          %convert_element_type3A_272 = arith.extui %and3A_271 : i1 to i32
          %cond3A_273 = arith.constant 0 : i32
          %cond3A_274 = arith.cmpi ne, %convert_element_type3A_272, %cond3A_273 : i32
          scf.if %cond3A_274 {
            "tpu.trace_start"() <{level = 10 : i32, message = "ep_wait_out"}> : () -> ()
            %rem3A_294 = arith.constant 2 : i32
            %rem3A_295 = arith.remui %while3A_146, %rem3A_294 : i32
            %mul3A_296 = arith.constant 128 : i32
            %mul3A_297 = arith.muli %mul3A_296, %add3A_165 : i32
            %dma_wait3A = arith.constant 0 : i32
            %dma_wait3A_298 = arith.constant 0 : i32
            %dma_wait3A_299 = tpu.memref_slice %run_scoped3A_18[%rem3A_295, %dma_wait3A, %dma_wait3A_298] : memref<2x128x256xf32, #tpu.memory_space<vmem>> -> memref<1x128x256xf32, #tpu.memory_space<vmem>>
            %dma_wait3A_300 = tpu.memref_squeeze %dma_wait3A_299 : memref<1x128x256xf32, #tpu.memory_space<vmem>> -> memref<128x256xf32, #tpu.memory_space<vmem>>
            %dma_wait3A_301 = arith.constant 0 : i32
            %dma_wait3A_302 = tpu.memref_slice %arg4[%mul3A_297, %dma_wait3A_301] : memref<6144x256xf32, #tpu.memory_space<hbm>> -> memref<128x256xf32, #tpu.memory_space<hbm>>
            %dma_wait3A_303 = tpu.memref_slice %run_scoped3A_19[%rem3A_295] : memref<2x!tpu.dma_semaphore, #tpu.memory_space<semaphore_mem>> -> memref<1x!tpu.dma_semaphore, #tpu.memory_space<semaphore_mem>>
            %dma_wait3A_304 = tpu.memref_squeeze %dma_wait3A_303 : memref<1x!tpu.dma_semaphore, #tpu.memory_space<semaphore_mem>> -> memref<!tpu.dma_semaphore, #tpu.memory_space<semaphore_mem>>
            %dma_wait3A_305 = arith.constant 0 : i32
            %dma_wait3A_306 = tpu.memref_slice %arg4[%mul3A_297, %dma_wait3A_305] : memref<6144x256xf32, #tpu.memory_space<hbm>> -> memref<128x256xf32, #tpu.memory_space<hbm>>
            %dma_wait3A_307 = arith.constant 0 : i32
            %dma_wait3A_308 = arith.constant 0 : i32
            %dma_wait3A_309 = tpu.memref_slice %run_scoped3A_18[%rem3A_295, %dma_wait3A_307, %dma_wait3A_308] : memref<2x128x256xf32, #tpu.memory_space<vmem>> -> memref<1x128x256xf32, #tpu.memory_space<vmem>>
            %dma_wait3A_310 = tpu.memref_squeeze %dma_wait3A_309 : memref<1x128x256xf32, #tpu.memory_space<vmem>> -> memref<128x256xf32, #tpu.memory_space<vmem>>
            tpu.wait_dma2 semaphore(%dma_wait3A_304 : memref<!tpu.dma_semaphore, #tpu.memory_space<semaphore_mem>>) src(%dma_wait3A_310 : memref<128x256xf32, #tpu.memory_space<vmem>>) dst(%dma_wait3A_306 : memref<128x256xf32, #tpu.memory_space<hbm>>)
            "tpu.trace_stop"() : () -> ()
          } else {
          }
          %and3A_275 = arith.constant true
          %and3A_276 = arith.andi %and3A_271, %and3A_275 : i1
          %add3A_277 = arith.constant 1 : i32
          %add3A_278 = arith.addi %while3A_146, %add3A_277 : i32
          %select_n3A_279 = arith.select %and3A_276, %add3A_278, %while3A_146 : i32
          %ne3A_280 = arith.cmpi ne, %add3A_155, %add3A_173 : i32
          %or3A_281 = arith.constant false
          %or3A_282 = arith.ori %or3A_281, %ne3A_280 : i1
          %or3A_283 = arith.ori %or3A_282, %eq3A_154 : i1
          %add3A_284 = arith.constant 1 : i32
          %add3A_285 = arith.addi %while3A_144, %add3A_284 : i32
          %select_n3A_286 = arith.select %or3A_283, %add3A_285, %while3A_144 : i32
          %add3A_287 = arith.constant 1 : i32
          %add3A_288 = arith.addi %while3A_147, %add3A_287 : i32
          %select_n3A_289 = arith.constant true
          %select_n3A_290 = arith.select %select_n3A_289, %add3A_288, %while3A_147 : i32
          %eq3A_291 = arith.cmpi eq, %select_n3A_290, %select_n3A : i32
          %select_n3A_292 = arith.constant 0 : i32
          %select_n3A_293 = arith.select %eq3A_291, %select_n3A_292, %select_n3A_290 : i32
          scf.yield %select_n3A_195, %select_n3A_286, %select_n3A_252, %select_n3A_279, %select_n3A_293 : i32, i32, i32, i32, i32
        }
        %while3A_89 = arith.constant 1 : i32
        %while3A_90:5 = scf.for %while3A_142 = %while3A_86 to %while3A_82 step %while3A_89 iter_args(%while3A_143 = %while3A_88#0, %while3A_144 = %while3A_88#1, %while3A_145 = %while3A_88#2, %while3A_146 = %while3A_88#3, %while3A_147 = %while3A_88#4) -> (i32, i32, i32, i32, i32)  : i32 {
          %mul3A_148 = arith.constant 1 : i32
          %mul3A_149 = arith.muli %mul3A_148, %select_n3A : i32
          %eq3A_150 = arith.constant 0 : i32
          %eq3A_151 = arith.cmpi eq, %while3A_142, %eq3A_150 : i32
          %sub3A_152 = arith.constant 1 : i32
          %sub3A_153 = arith.subi %mul3A_149, %sub3A_152 : i32
          %eq3A_154 = arith.cmpi eq, %while3A_142, %sub3A_153 : i32
          %add3A_155 = arith.addi %while3A_147, %select_n3A_14 : i32
          %sub3A_156 = arith.constant 1 : i32
          %sub3A_157 = arith.subi %while3A_147, %sub3A_156 : i32
          %select_n3A_158 = arith.constant true
          %select_n3A_159 = arith.select %select_n3A_158, %sub3A_157, %while3A_147 : i32
          %eq3A_160 = arith.constant -1 : i32
          %eq3A_161 = arith.cmpi eq, %select_n3A_159, %eq3A_160 : i32
          %sub3A_162 = arith.constant 1 : i32
          %sub3A_163 = arith.subi %select_n3A, %sub3A_162 : i32
          %select_n3A_164 = arith.select %eq3A_161, %sub3A_163, %select_n3A_159 : i32
          %add3A_165 = arith.addi %select_n3A_164, %select_n3A_14 : i32
          %add3A_166 = arith.constant 1 : i32
          %add3A_167 = arith.addi %while3A_147, %add3A_166 : i32
          %select_n3A_168 = arith.constant true
          %select_n3A_169 = arith.select %select_n3A_168, %add3A_167, %while3A_147 : i32
          %eq3A_170 = arith.cmpi eq, %select_n3A_169, %select_n3A : i32
          %select_n3A_171 = arith.constant 0 : i32
          %select_n3A_172 = arith.select %eq3A_170, %select_n3A_171, %select_n3A_169 : i32
          %add3A_173 = arith.addi %select_n3A_172, %select_n3A_14 : i32
          %add3A_174 = arith.constant 1 : i32
          %add3A_175 = arith.addi %select_n3A_172, %add3A_174 : i32
          %select_n3A_176 = arith.constant true
          %select_n3A_177 = arith.select %select_n3A_176, %add3A_175, %select_n3A_172 : i32
          %eq3A_178 = arith.cmpi eq, %select_n3A_177, %select_n3A : i32
          %select_n3A_179 = arith.constant 0 : i32
          %select_n3A_180 = arith.select %eq3A_178, %select_n3A_179, %select_n3A_177 : i32
          %add3A_181 = arith.addi %select_n3A_180, %select_n3A_14 : i32
          %ne3A = arith.cmpi ne, %add3A_155, %add3A_173 : i32
          %or3A = arith.constant false
          %or3A_182 = arith.ori %or3A, %ne3A : i1
          %sub3A_183 = arith.constant 2 : i32
          %sub3A_184 = arith.subi %mul3A_149, %sub3A_183 : i32
          %add3A_185 = arith.constant 1 : i32
          %add3A_186 = arith.addi %sub3A_184, %add3A_185 : i32
          %ge3A = arith.cmpi sge, %while3A_142, %add3A_186 : i32
          %not3A = arith.constant true
          %not3A_187 = arith.xori %ge3A, %not3A : i1
          %and3A = arith.andi %or3A_182, %not3A_187 : i1
          %convert_element_type3A_188 = arith.extui %and3A : i1 to i32
          %cond3A_189 = arith.constant 0 : i32
          %cond3A_190 = arith.cmpi ne, %convert_element_type3A_188, %cond3A_189 : i32
          scf.if %cond3A_190 {
            "tpu.trace_start"() <{level = 10 : i32, message = "ep_copy_in"}> : () -> ()
            %rem3A_294 = arith.constant 2 : i32
            %rem3A_295 = arith.remui %while3A_143, %rem3A_294 : i32
            %mul3A_296 = arith.constant 128 : i32
            %mul3A_297 = arith.muli %mul3A_296, %add3A_173 : i32
            %dma_start3A_298 = arith.constant 0 : i32
            %dma_start3A_299 = arith.constant 0 : i32
            %dma_start3A_300 = tpu.memref_slice %run_scoped3A[%rem3A_295, %dma_start3A_298, %dma_start3A_299] : memref<2x1x128xi32, #tpu.memory_space<vmem>> -> memref<1x1x128xi32, #tpu.memory_space<vmem>>
            %dma_start3A_301 = tpu.memref_squeeze %dma_start3A_300 : memref<1x1x128xi32, #tpu.memory_space<vmem>> -> memref<1x128xi32, #tpu.memory_space<vmem>>
            %dma_start3A_302 = arith.constant 0 : i32
            %dma_start3A_303 = tpu.memref_slice %arg3[%dma_start3A_302, %mul3A_297] : memref<1x6144xi32, #tpu.memory_space<hbm>> -> memref<1x128xi32, #tpu.memory_space<hbm>>
            %dma_start3A_304 = tpu.memref_slice %run_scoped3A_17[%rem3A_295] : memref<2x!tpu.dma_semaphore, #tpu.memory_space<semaphore_mem>> -> memref<1x!tpu.dma_semaphore, #tpu.memory_space<semaphore_mem>>
            %dma_start3A_305 = tpu.memref_squeeze %dma_start3A_304 : memref<1x!tpu.dma_semaphore, #tpu.memory_space<semaphore_mem>> -> memref<!tpu.dma_semaphore, #tpu.memory_space<semaphore_mem>>
            %dma_start3A_306 = arith.constant 0 : i32
            %dma_start3A_307 = arith.constant 0 : i32
            %dma_start3A_308 = tpu.memref_slice %run_scoped3A[%rem3A_295, %dma_start3A_306, %dma_start3A_307] : memref<2x1x128xi32, #tpu.memory_space<vmem>> -> memref<1x1x128xi32, #tpu.memory_space<vmem>>
            %dma_start3A_309 = tpu.memref_squeeze %dma_start3A_308 : memref<1x1x128xi32, #tpu.memory_space<vmem>> -> memref<1x128xi32, #tpu.memory_space<vmem>>
            %dma_start3A_310 = arith.constant 0 : i32
            %dma_start3A_311 = tpu.memref_slice %arg3[%dma_start3A_310, %mul3A_297] : memref<1x6144xi32, #tpu.memory_space<hbm>> -> memref<1x128xi32, #tpu.memory_space<hbm>>
            tpu.enqueue_dma source(%dma_start3A_311 : memref<1x128xi32, #tpu.memory_space<hbm>>) target(%dma_start3A_309 : memref<1x128xi32, #tpu.memory_space<vmem>>) target_semaphore(%dma_start3A_305 : memref<!tpu.dma_semaphore, #tpu.memory_space<semaphore_mem>>)
            "tpu.trace_stop"() : () -> ()
          } else {
          }
          %and3A_191 = arith.constant true
          %and3A_192 = arith.andi %and3A, %and3A_191 : i1
          %add3A_193 = arith.constant 1 : i32
          %add3A_194 = arith.addi %while3A_143, %add3A_193 : i32
          %select_n3A_195 = arith.select %and3A_192, %add3A_194, %while3A_143 : i32
          %ne3A_196 = arith.cmpi ne, %add3A_155, %add3A_173 : i32
          %or3A_197 = arith.constant false
          %or3A_198 = arith.ori %or3A_197, %ne3A_196 : i1
          %or3A_199 = arith.constant false
          %or3A_200 = arith.ori %or3A_198, %or3A_199 : i1
          %sub3A_201 = arith.constant 2 : i32
          %sub3A_202 = arith.subi %mul3A_149, %sub3A_201 : i32
          %add3A_203 = arith.constant 1 : i32
          %add3A_204 = arith.addi %sub3A_202, %add3A_203 : i32
          %ge3A_205 = arith.cmpi sge, %while3A_142, %add3A_204 : i32
          %not3A_206 = arith.constant true
          %not3A_207 = arith.xori %ge3A_205, %not3A_206 : i1
          %and3A_208 = arith.andi %or3A_200, %not3A_207 : i1
          %ne3A_209 = arith.cmpi ne, %add3A_155, %add3A_165 : i32
          %or3A_210 = arith.constant false
          %or3A_211 = arith.ori %or3A_210, %ne3A_209 : i1
          %or3A_212 = arith.ori %or3A_211, %eq3A_151 : i1
          %convert_element_type3A_213 = arith.extui %or3A_212 : i1 to i32
          %cond3A_214 = arith.constant 0 : i32
          %cond3A_215 = arith.cmpi ne, %convert_element_type3A_213, %cond3A_214 : i32
          scf.if %cond3A_215 {
            "tpu.trace_start"() <{level = 10 : i32, message = "ep_wait_in"}> : () -> ()
            %mul3A_294 = arith.constant 128 : i32
            %mul3A_295 = arith.muli %mul3A_294, %add3A_155 : i32
            %rem3A_296 = arith.constant 2 : i32
            %rem3A_297 = arith.remui %while3A_144, %rem3A_296 : i32
            %dma_wait3A = arith.constant 0 : i32
            %dma_wait3A_298 = arith.constant 0 : i32
            %dma_wait3A_299 = tpu.memref_slice %run_scoped3A[%rem3A_297, %dma_wait3A, %dma_wait3A_298] : memref<2x1x128xi32, #tpu.memory_space<vmem>> -> memref<1x1x128xi32, #tpu.memory_space<vmem>>
            %dma_wait3A_300 = tpu.memref_squeeze %dma_wait3A_299 : memref<1x1x128xi32, #tpu.memory_space<vmem>> -> memref<1x128xi32, #tpu.memory_space<vmem>>
            %dma_wait3A_301 = arith.constant 0 : i32
            %dma_wait3A_302 = tpu.memref_slice %arg3[%dma_wait3A_301, %mul3A_295] : memref<1x6144xi32, #tpu.memory_space<hbm>> -> memref<1x128xi32, #tpu.memory_space<hbm>>
            %dma_wait3A_303 = tpu.memref_slice %run_scoped3A_17[%rem3A_297] : memref<2x!tpu.dma_semaphore, #tpu.memory_space<semaphore_mem>> -> memref<1x!tpu.dma_semaphore, #tpu.memory_space<semaphore_mem>>
            %dma_wait3A_304 = tpu.memref_squeeze %dma_wait3A_303 : memref<1x!tpu.dma_semaphore, #tpu.memory_space<semaphore_mem>> -> memref<!tpu.dma_semaphore, #tpu.memory_space<semaphore_mem>>
            %dma_wait3A_305 = arith.constant 0 : i32
            %dma_wait3A_306 = arith.constant 0 : i32
            %dma_wait3A_307 = tpu.memref_slice %run_scoped3A[%rem3A_297, %dma_wait3A_305, %dma_wait3A_306] : memref<2x1x128xi32, #tpu.memory_space<vmem>> -> memref<1x1x128xi32, #tpu.memory_space<vmem>>
            %dma_wait3A_308 = tpu.memref_squeeze %dma_wait3A_307 : memref<1x1x128xi32, #tpu.memory_space<vmem>> -> memref<1x128xi32, #tpu.memory_space<vmem>>
            %dma_wait3A_309 = arith.constant 0 : i32
            %dma_wait3A_310 = tpu.memref_slice %arg3[%dma_wait3A_309, %mul3A_295] : memref<1x6144xi32, #tpu.memory_space<hbm>> -> memref<1x128xi32, #tpu.memory_space<hbm>>
            tpu.wait_dma2 semaphore(%dma_wait3A_304 : memref<!tpu.dma_semaphore, #tpu.memory_space<semaphore_mem>>) src(%dma_wait3A_310 : memref<1x128xi32, #tpu.memory_space<hbm>>) dst(%dma_wait3A_308 : memref<1x128xi32, #tpu.memory_space<vmem>>)
            "tpu.trace_stop"() : () -> ()
          } else {
          }
          %ne3A_216 = arith.cmpi ne, %add3A_155, %add3A_165 : i32
          %or3A_217 = arith.constant false
          %or3A_218 = arith.ori %or3A_217, %ne3A_216 : i1
          %or3A_219 = arith.constant false
          %or3A_220 = arith.ori %or3A_218, %or3A_219 : i1
          %or3A_221 = arith.ori %or3A_220, %eq3A_151 : i1
          %convert_element_type3A_222 = arith.extui %or3A_221 : i1 to i32
          %cond3A_223 = arith.constant 0 : i32
          %cond3A_224 = arith.cmpi ne, %convert_element_type3A_222, %cond3A_223 : i32
          scf.if %cond3A_224 {
          } else {
          }
          %rem3A_225 = arith.constant 2 : i32
          %rem3A_226 = arith.remui %while3A_144, %rem3A_225 : i32
          %rem3A_227 = arith.constant 2 : i32
          %rem3A_228 = arith.remui %while3A_145, %rem3A_227 : i32
          %run_scoped3A_229 = arith.constant 0 : i32
          "tpu.trace_start"() <{level = 10 : i32, message = "ep_run_kernel"}> : () -> ()
          "tpu.region"() ({
            %run_scoped3A_294 = tpu.sem_alloc : memref<!tpu.dma_semaphore, #tpu.memory_space<semaphore_mem>>
            %dma_start3A_295 = arith.constant 0 : i32
            %dma_start3A_296 = arith.constant 0 : i32
            %dma_start3A_297 = tpu.memref_slice %run_scoped3A_18[%rem3A_228, %dma_start3A_295, %dma_start3A_296] : memref<2x128x256xf32, #tpu.memory_space<vmem>> -> memref<1x128x256xf32, #tpu.memory_space<vmem>>
            %dma_start3A_298 = tpu.memref_squeeze %dma_start3A_297 : memref<1x128x256xf32, #tpu.memory_space<vmem>> -> memref<128x256xf32, #tpu.memory_space<vmem>>
            %dma_start3A_299 = arith.constant 0 : i32
            %dma_start3A_300 = arith.constant 0 : i32
            %dma_start3A_301 = tpu.memref_slice %run_scoped3A[%rem3A_226, %dma_start3A_299, %dma_start3A_300] : memref<2x1x128xi32, #tpu.memory_space<vmem>> -> memref<1x1x128xi32, #tpu.memory_space<vmem>>
            %dma_start3A_302 = tpu.memref_squeeze %dma_start3A_301 : memref<1x1x128xi32, #tpu.memory_space<vmem>> -> memref<1x128xi32, #tpu.memory_space<vmem>>
            %dma_start3A_303 = arith.constant 0 : i32
            %dma_start3A_304 = tpu.memref_slice %dma_start3A_302[%run_scoped3A_229, %dma_start3A_303] : memref<1x128xi32, #tpu.memory_space<vmem>> -> memref<1x128xi32, #tpu.memory_space<vmem>>
            %dma_start3A_305 = tpu.memref_squeeze %dma_start3A_304 : memref<1x128xi32, #tpu.memory_space<vmem>> -> memref<128xi32, #tpu.memory_space<vmem>>
            %dma_start3A_306 = arith.constant 0 : i32
            %dma_start3A_307 = arith.constant 0 : i32
            %dma_start3A_308 = tpu.memref_slice %arg2[%dma_start3A_306, %dma_start3A_307] : memref<91566x256xf32, #tpu.memory_space<hbm>> -> memref<91566x256xf32, #tpu.memory_space<hbm>>
            tpu.enqueue_indirect_dma source(%dma_start3A_308 : memref<91566x256xf32, #tpu.memory_space<hbm>>) target(%dma_start3A_298 : memref<128x256xf32, #tpu.memory_space<vmem>>) offsets(%dma_start3A_305 : memref<128xi32, #tpu.memory_space<vmem>>) semaphore(%run_scoped3A_294 : memref<!tpu.dma_semaphore, #tpu.memory_space<semaphore_mem>>)
            %dma_wait3A = arith.constant 0 : i32
            %dma_wait3A_309 = arith.constant 0 : i32
            %dma_wait3A_310 = tpu.memref_slice %run_scoped3A_18[%rem3A_228, %dma_wait3A, %dma_wait3A_309] : memref<2x128x256xf32, #tpu.memory_space<vmem>> -> memref<1x128x256xf32, #tpu.memory_space<vmem>>
            %dma_wait3A_311 = tpu.memref_squeeze %dma_wait3A_310 : memref<1x128x256xf32, #tpu.memory_space<vmem>> -> memref<128x256xf32, #tpu.memory_space<vmem>>
            %dma_wait3A_312 = arith.constant 0 : i32
            %dma_wait3A_313 = arith.constant 0 : i32
            %dma_wait3A_314 = tpu.memref_slice %run_scoped3A[%rem3A_226, %dma_wait3A_312, %dma_wait3A_313] : memref<2x1x128xi32, #tpu.memory_space<vmem>> -> memref<1x1x128xi32, #tpu.memory_space<vmem>>
            %dma_wait3A_315 = tpu.memref_squeeze %dma_wait3A_314 : memref<1x1x128xi32, #tpu.memory_space<vmem>> -> memref<1x128xi32, #tpu.memory_space<vmem>>
            %dma_wait3A_316 = arith.constant 0 : i32
            %dma_wait3A_317 = tpu.memref_slice %dma_wait3A_315[%run_scoped3A_229, %dma_wait3A_316] : memref<1x128xi32, #tpu.memory_space<vmem>> -> memref<1x128xi32, #tpu.memory_space<vmem>>
            %dma_wait3A_318 = tpu.memref_squeeze %dma_wait3A_317 : memref<1x128xi32, #tpu.memory_space<vmem>> -> memref<128xi32, #tpu.memory_space<vmem>>
            %dma_wait3A_319 = arith.constant 0 : i32
            %dma_wait3A_320 = arith.constant 0 : i32
            %dma_wait3A_321 = tpu.memref_slice %arg2[%dma_wait3A_319, %dma_wait3A_320] : memref<91566x256xf32, #tpu.memory_space<hbm>> -> memref<91566x256xf32, #tpu.memory_space<hbm>>
            tpu.wait_indirect_dma semaphore(%run_scoped3A_294 : memref<!tpu.dma_semaphore, #tpu.memory_space<semaphore_mem>>) src(%dma_wait3A_321 : memref<91566x256xf32, #tpu.memory_space<hbm>>) dst(%dma_wait3A_311 : memref<128x256xf32, #tpu.memory_space<vmem>>)
            tpu.yield
          }) : () -> ()
          "tpu.trace_stop"() : () -> ()
          %ne3A_230 = arith.cmpi ne, %add3A_155, %add3A_173 : i32
          %or3A_231 = arith.constant false
          %or3A_232 = arith.ori %or3A_231, %ne3A_230 : i1
          %or3A_233 = arith.ori %or3A_232, %eq3A_154 : i1
          %convert_element_type3A_234 = arith.extui %or3A_233 : i1 to i32
          %cond3A_235 = arith.constant 0 : i32
          %cond3A_236 = arith.cmpi ne, %convert_element_type3A_234, %cond3A_235 : i32
          scf.if %cond3A_236 {
          } else {
          }
          %and3A_237 = arith.constant false
          %and3A_238 = arith.andi %or3A_233, %and3A_237 : i1
          %ne3A_239 = arith.cmpi ne, %add3A_155, %add3A_173 : i32
          %or3A_240 = arith.constant false
          %or3A_241 = arith.ori %or3A_240, %ne3A_239 : i1
          %or3A_242 = arith.constant false
          %or3A_243 = arith.ori %or3A_241, %or3A_242 : i1
          %or3A_244 = arith.ori %or3A_243, %eq3A_154 : i1
          %convert_element_type3A_245 = arith.extui %or3A_244 : i1 to i32
          %cond3A_246 = arith.constant 0 : i32
          %cond3A_247 = arith.cmpi ne, %convert_element_type3A_245, %cond3A_246 : i32
          scf.if %cond3A_247 {
            "tpu.trace_start"() <{level = 10 : i32, message = "ep_copy_out"}> : () -> ()
            %rem3A_294 = arith.constant 2 : i32
            %rem3A_295 = arith.remui %while3A_145, %rem3A_294 : i32
            %mul3A_296 = arith.constant 128 : i32
            %mul3A_297 = arith.muli %mul3A_296, %add3A_155 : i32
            %dma_start3A_298 = arith.constant 0 : i32
            %dma_start3A_299 = arith.constant 0 : i32
            %dma_start3A_300 = tpu.memref_slice %run_scoped3A_18[%rem3A_295, %dma_start3A_298, %dma_start3A_299] : memref<2x128x256xf32, #tpu.memory_space<vmem>> -> memref<1x128x256xf32, #tpu.memory_space<vmem>>
            %dma_start3A_301 = tpu.memref_squeeze %dma_start3A_300 : memref<1x128x256xf32, #tpu.memory_space<vmem>> -> memref<128x256xf32, #tpu.memory_space<vmem>>
            %dma_start3A_302 = arith.constant 0 : i32
            %dma_start3A_303 = tpu.memref_slice %arg4[%mul3A_297, %dma_start3A_302] : memref<6144x256xf32, #tpu.memory_space<hbm>> -> memref<128x256xf32, #tpu.memory_space<hbm>>
            %dma_start3A_304 = tpu.memref_slice %run_scoped3A_19[%rem3A_295] : memref<2x!tpu.dma_semaphore, #tpu.memory_space<semaphore_mem>> -> memref<1x!tpu.dma_semaphore, #tpu.memory_space<semaphore_mem>>
            %dma_start3A_305 = tpu.memref_squeeze %dma_start3A_304 : memref<1x!tpu.dma_semaphore, #tpu.memory_space<semaphore_mem>> -> memref<!tpu.dma_semaphore, #tpu.memory_space<semaphore_mem>>
            %dma_start3A_306 = arith.constant 0 : i32
            %dma_start3A_307 = tpu.memref_slice %arg4[%mul3A_297, %dma_start3A_306] : memref<6144x256xf32, #tpu.memory_space<hbm>> -> memref<128x256xf32, #tpu.memory_space<hbm>>
            %dma_start3A_308 = arith.constant 0 : i32
            %dma_start3A_309 = arith.constant 0 : i32
            %dma_start3A_310 = tpu.memref_slice %run_scoped3A_18[%rem3A_295, %dma_start3A_308, %dma_start3A_309] : memref<2x128x256xf32, #tpu.memory_space<vmem>> -> memref<1x128x256xf32, #tpu.memory_space<vmem>>
            %dma_start3A_311 = tpu.memref_squeeze %dma_start3A_310 : memref<1x128x256xf32, #tpu.memory_space<vmem>> -> memref<128x256xf32, #tpu.memory_space<vmem>>
            tpu.enqueue_dma source(%dma_start3A_311 : memref<128x256xf32, #tpu.memory_space<vmem>>) target(%dma_start3A_307 : memref<128x256xf32, #tpu.memory_space<hbm>>) target_semaphore(%dma_start3A_305 : memref<!tpu.dma_semaphore, #tpu.memory_space<semaphore_mem>>)
            "tpu.trace_stop"() : () -> ()
          } else {
          }
          %and3A_248 = arith.constant true
          %and3A_249 = arith.andi %or3A_244, %and3A_248 : i1
          %add3A_250 = arith.constant 1 : i32
          %add3A_251 = arith.addi %while3A_145, %add3A_250 : i32
          %select_n3A_252 = arith.select %and3A_249, %add3A_251, %while3A_145 : i32
          %ne3A_253 = arith.cmpi ne, %add3A_155, %add3A_165 : i32
          %or3A_254 = arith.constant false
          %or3A_255 = arith.ori %or3A_254, %ne3A_253 : i1
          %not3A_256 = arith.constant true
          %not3A_257 = arith.xori %eq3A_151, %not3A_256 : i1
          %and3A_258 = arith.andi %or3A_255, %not3A_257 : i1
          %convert_element_type3A_259 = arith.extui %and3A_258 : i1 to i32
          %cond3A_260 = arith.constant 0 : i32
          %cond3A_261 = arith.cmpi ne, %convert_element_type3A_259, %cond3A_260 : i32
          scf.if %cond3A_261 {
          } else {
          }
          %and3A_262 = arith.constant false
          %and3A_263 = arith.andi %and3A_258, %and3A_262 : i1
          %ne3A_264 = arith.cmpi ne, %add3A_155, %add3A_165 : i32
          %or3A_265 = arith.constant false
          %or3A_266 = arith.ori %or3A_265, %ne3A_264 : i1
          %or3A_267 = arith.constant false
          %or3A_268 = arith.ori %or3A_266, %or3A_267 : i1
          %not3A_269 = arith.constant true
          %not3A_270 = arith.xori %eq3A_151, %not3A_269 : i1
          %and3A_271 = arith.andi %or3A_268, %not3A_270 : i1
          %convert_element_type3A_272 = arith.extui %and3A_271 : i1 to i32
          %cond3A_273 = arith.constant 0 : i32
          %cond3A_274 = arith.cmpi ne, %convert_element_type3A_272, %cond3A_273 : i32
          scf.if %cond3A_274 {
            "tpu.trace_start"() <{level = 10 : i32, message = "ep_wait_out"}> : () -> ()
            %rem3A_294 = arith.constant 2 : i32
            %rem3A_295 = arith.remui %while3A_146, %rem3A_294 : i32
            %mul3A_296 = arith.constant 128 : i32
            %mul3A_297 = arith.muli %mul3A_296, %add3A_165 : i32
            %dma_wait3A = arith.constant 0 : i32
            %dma_wait3A_298 = arith.constant 0 : i32
            %dma_wait3A_299 = tpu.memref_slice %run_scoped3A_18[%rem3A_295, %dma_wait3A, %dma_wait3A_298] : memref<2x128x256xf32, #tpu.memory_space<vmem>> -> memref<1x128x256xf32, #tpu.memory_space<vmem>>
            %dma_wait3A_300 = tpu.memref_squeeze %dma_wait3A_299 : memref<1x128x256xf32, #tpu.memory_space<vmem>> -> memref<128x256xf32, #tpu.memory_space<vmem>>
            %dma_wait3A_301 = arith.constant 0 : i32
            %dma_wait3A_302 = tpu.memref_slice %arg4[%mul3A_297, %dma_wait3A_301] : memref<6144x256xf32, #tpu.memory_space<hbm>> -> memref<128x256xf32, #tpu.memory_space<hbm>>
            %dma_wait3A_303 = tpu.memref_slice %run_scoped3A_19[%rem3A_295] : memref<2x!tpu.dma_semaphore, #tpu.memory_space<semaphore_mem>> -> memref<1x!tpu.dma_semaphore, #tpu.memory_space<semaphore_mem>>
            %dma_wait3A_304 = tpu.memref_squeeze %dma_wait3A_303 : memref<1x!tpu.dma_semaphore, #tpu.memory_space<semaphore_mem>> -> memref<!tpu.dma_semaphore, #tpu.memory_space<semaphore_mem>>
            %dma_wait3A_305 = arith.constant 0 : i32
            %dma_wait3A_306 = tpu.memref_slice %arg4[%mul3A_297, %dma_wait3A_305] : memref<6144x256xf32, #tpu.memory_space<hbm>> -> memref<128x256xf32, #tpu.memory_space<hbm>>
            %dma_wait3A_307 = arith.constant 0 : i32
            %dma_wait3A_308 = arith.constant 0 : i32
            %dma_wait3A_309 = tpu.memref_slice %run_scoped3A_18[%rem3A_295, %dma_wait3A_307, %dma_wait3A_308] : memref<2x128x256xf32, #tpu.memory_space<vmem>> -> memref<1x128x256xf32, #tpu.memory_space<vmem>>
            %dma_wait3A_310 = tpu.memref_squeeze %dma_wait3A_309 : memref<1x128x256xf32, #tpu.memory_space<vmem>> -> memref<128x256xf32, #tpu.memory_space<vmem>>
            tpu.wait_dma2 semaphore(%dma_wait3A_304 : memref<!tpu.dma_semaphore, #tpu.memory_space<semaphore_mem>>) src(%dma_wait3A_310 : memref<128x256xf32, #tpu.memory_space<vmem>>) dst(%dma_wait3A_306 : memref<128x256xf32, #tpu.memory_space<hbm>>)
            "tpu.trace_stop"() : () -> ()
          } else {
          }
          %and3A_275 = arith.constant true
          %and3A_276 = arith.andi %and3A_271, %and3A_275 : i1
          %add3A_277 = arith.constant 1 : i32
          %add3A_278 = arith.addi %while3A_146, %add3A_277 : i32
          %select_n3A_279 = arith.select %and3A_276, %add3A_278, %while3A_146 : i32
          %ne3A_280 = arith.cmpi ne, %add3A_155, %add3A_173 : i32
          %or3A_281 = arith.constant false
          %or3A_282 = arith.ori %or3A_281, %ne3A_280 : i1
          %or3A_283 = arith.ori %or3A_282, %eq3A_154 : i1
          %add3A_284 = arith.constant 1 : i32
          %add3A_285 = arith.addi %while3A_144, %add3A_284 : i32
          %select_n3A_286 = arith.select %or3A_283, %add3A_285, %while3A_144 : i32
          %add3A_287 = arith.constant 1 : i32
          %add3A_288 = arith.addi %while3A_147, %add3A_287 : i32
          %select_n3A_289 = arith.constant true
          %select_n3A_290 = arith.select %select_n3A_289, %add3A_288, %while3A_147 : i32
          %eq3A_291 = arith.cmpi eq, %select_n3A_290, %select_n3A : i32
          %select_n3A_292 = arith.constant 0 : i32
          %select_n3A_293 = arith.select %eq3A_291, %select_n3A_292, %select_n3A_290 : i32
          scf.yield %select_n3A_195, %select_n3A_286, %select_n3A_252, %select_n3A_279, %select_n3A_293 : i32, i32, i32, i32, i32
        }
        %sub3A_91 = arith.constant 1 : i32
        %sub3A_92 = arith.subi %while3A_90#4, %sub3A_91 : i32
        %select_n3A_93 = arith.constant true
        %select_n3A_94 = arith.select %select_n3A_93, %sub3A_92, %while3A_90#4 : i32
        %eq3A_95 = arith.constant -1 : i32
        %eq3A_96 = arith.cmpi eq, %select_n3A_94, %eq3A_95 : i32
        %sub3A_97 = arith.constant 1 : i32
        %sub3A_98 = arith.subi %select_n3A, %sub3A_97 : i32
        %select_n3A_99 = arith.select %eq3A_96, %sub3A_98, %select_n3A_94 : i32
        %sub3A_100 = arith.constant 1 : i32
        %sub3A_101 = arith.subi %mul3A_16, %sub3A_100 : i32
        %mul3A_102 = arith.constant 1 : i32
        %mul3A_103 = arith.muli %mul3A_102, %select_n3A : i32
        %eq3A_104 = arith.constant 0 : i32
        %eq3A_105 = arith.cmpi eq, %sub3A_101, %eq3A_104 : i32
        %sub3A_106 = arith.constant 1 : i32
        %sub3A_107 = arith.subi %mul3A_103, %sub3A_106 : i32
        %eq3A_108 = arith.cmpi eq, %sub3A_101, %sub3A_107 : i32
        %add3A_109 = arith.addi %select_n3A_99, %select_n3A_14 : i32
        %sub3A_110 = arith.constant 1 : i32
        %sub3A_111 = arith.subi %select_n3A_99, %sub3A_110 : i32
        %select_n3A_112 = arith.constant true
        %select_n3A_113 = arith.select %select_n3A_112, %sub3A_111, %select_n3A_99 : i32
        %eq3A_114 = arith.constant -1 : i32
        %eq3A_115 = arith.cmpi eq, %select_n3A_113, %eq3A_114 : i32
        %sub3A_116 = arith.constant 1 : i32
        %sub3A_117 = arith.subi %select_n3A, %sub3A_116 : i32
        %select_n3A_118 = arith.select %eq3A_115, %sub3A_117, %select_n3A_113 : i32
        %add3A_119 = arith.addi %select_n3A_118, %select_n3A_14 : i32
        %add3A_120 = arith.constant 1 : i32
        %add3A_121 = arith.addi %select_n3A_99, %add3A_120 : i32
        %select_n3A_122 = arith.constant true
        %select_n3A_123 = arith.select %select_n3A_122, %add3A_121, %select_n3A_99 : i32
        %eq3A_124 = arith.cmpi eq, %select_n3A_123, %select_n3A : i32
        %select_n3A_125 = arith.constant 0 : i32
        %select_n3A_126 = arith.select %eq3A_124, %select_n3A_125, %select_n3A_123 : i32
        %add3A_127 = arith.addi %select_n3A_126, %select_n3A_14 : i32
        %add3A_128 = arith.constant 1 : i32
        %add3A_129 = arith.addi %select_n3A_126, %add3A_128 : i32
        %select_n3A_130 = arith.constant true
        %select_n3A_131 = arith.select %select_n3A_130, %add3A_129, %select_n3A_126 : i32
        %eq3A_132 = arith.cmpi eq, %select_n3A_131, %select_n3A : i32
        %select_n3A_133 = arith.constant 0 : i32
        %select_n3A_134 = arith.select %eq3A_132, %select_n3A_133, %select_n3A_131 : i32
        %add3A_135 = arith.addi %select_n3A_134, %select_n3A_14 : i32
        %convert_element_type3A_136 = arith.extui %eq3A_108 : i1 to i32
        %cond3A_137 = arith.constant 0 : i32
        %cond3A_138 = arith.cmpi ne, %convert_element_type3A_136, %cond3A_137 : i32
        scf.if %cond3A_138 {
        } else {
        }
        %convert_element_type3A_139 = arith.extui %eq3A_108 : i1 to i32
        %cond3A_140 = arith.constant 0 : i32
        %cond3A_141 = arith.cmpi ne, %convert_element_type3A_139, %cond3A_140 : i32
        scf.if %cond3A_141 {
          "tpu.trace_start"() <{level = 10 : i32, message = "ep_finalize"}> : () -> ()
          %rem3A_142 = arith.constant 2 : i32
          %rem3A_143 = arith.remui %while3A_90#3, %rem3A_142 : i32
          %mul3A_144 = arith.constant 128 : i32
          %mul3A_145 = arith.muli %mul3A_144, %add3A_109 : i32
          %dma_wait3A = arith.constant 0 : i32
          %dma_wait3A_146 = arith.constant 0 : i32
          %dma_wait3A_147 = tpu.memref_slice %run_scoped3A_18[%rem3A_143, %dma_wait3A, %dma_wait3A_146] : memref<2x128x256xf32, #tpu.memory_space<vmem>> -> memref<1x128x256xf32, #tpu.memory_space<vmem>>
          %dma_wait3A_148 = tpu.memref_squeeze %dma_wait3A_147 : memref<1x128x256xf32, #tpu.memory_space<vmem>> -> memref<128x256xf32, #tpu.memory_space<vmem>>
          %dma_wait3A_149 = arith.constant 0 : i32
          %dma_wait3A_150 = tpu.memref_slice %arg4[%mul3A_145, %dma_wait3A_149] : memref<6144x256xf32, #tpu.memory_space<hbm>> -> memref<128x256xf32, #tpu.memory_space<hbm>>
          %dma_wait3A_151 = tpu.memref_slice %run_scoped3A_19[%rem3A_143] : memref<2x!tpu.dma_semaphore, #tpu.memory_space<semaphore_mem>> -> memref<1x!tpu.dma_semaphore, #tpu.memory_space<semaphore_mem>>
          %dma_wait3A_152 = tpu.memref_squeeze %dma_wait3A_151 : memref<1x!tpu.dma_semaphore, #tpu.memory_space<semaphore_mem>> -> memref<!tpu.dma_semaphore, #tpu.memory_space<semaphore_mem>>
          %dma_wait3A_153 = arith.constant 0 : i32
          %dma_wait3A_154 = tpu.memref_slice %arg4[%mul3A_145, %dma_wait3A_153] : memref<6144x256xf32, #tpu.memory_space<hbm>> -> memref<128x256xf32, #tpu.memory_space<hbm>>
          %dma_wait3A_155 = arith.constant 0 : i32
          %dma_wait3A_156 = arith.constant 0 : i32
          %dma_wait3A_157 = tpu.memref_slice %run_scoped3A_18[%rem3A_143, %dma_wait3A_155, %dma_wait3A_156] : memref<2x128x256xf32, #tpu.memory_space<vmem>> -> memref<1x128x256xf32, #tpu.memory_space<vmem>>
          %dma_wait3A_158 = tpu.memref_squeeze %dma_wait3A_157 : memref<1x128x256xf32, #tpu.memory_space<vmem>> -> memref<128x256xf32, #tpu.memory_space<vmem>>
          tpu.wait_dma2 semaphore(%dma_wait3A_152 : memref<!tpu.dma_semaphore, #tpu.memory_space<semaphore_mem>>) src(%dma_wait3A_158 : memref<128x256xf32, #tpu.memory_space<vmem>>) dst(%dma_wait3A_154 : memref<128x256xf32, #tpu.memory_space<hbm>>)
          "tpu.trace_stop"() : () -> ()
        } else {
        }
      } else {
      }
      tpu.yield
    }) : () -> ()
    return
  }
}

</mosaic_0001>

<sc_bundles>
// kernel: kernel.3.cloned.1.call-start
scs
__scs_entry_jumppad:
0x0: {  	(pc) =	sbr.rel $0x88, $3  }
0x1: {  	(tag) =	ssettag $0x0;
	lr =	simm.s32 $0x1  }
0x2: {  	[smem:$0x3F9F] =	sst lr;
	_ =	strace $0xD0000000  }
0x3: {  	_ = 	snop  }
0x4: {  	_ = 	snop  }
0x5: {  	_ = 	snop  }
0x6: {  	_ = 	snop  }
0x7: {  	_ = 	snop  }
__scs_overlays_trampoline_lowered:
0x8: {  	[smem:$0x3FAE] =	sst s0  }
0x9: {  	[smem:$0x3FAF] =	sst s1  }
0xa: {  	[smem:$0x3FB0] =	sst s2  }
0xb: {  	[smem:$0x3FB1] =	sst s3  }
0xc: {  	[smem:$0x3FB2] =	sst s4  }
0xd: {  	[smem:$0x3FB3] =	sst s5  }
0xe: {  	[smem:$0x3FB4] =	sst s6  }
0xf: {  	[smem:$0x3FB5] =	sst s7  }
0x10: {  	[smem:$0x3FB6] =	sst s8  }
0x11: {  	[smem:$0x3FB7] =	sst s9;
	s0 =	simm.s32 @!p0 $0x0  }
0x12: {  	s1 =	sld [smem:$0x3F9D];
	s0 =	simm.s32 @p0 $0x1  }
0x13: {  	[smem:$0x3FB8] =	sst s0;
	s0 =	simm.s32 @!p1 $0x0  }
0x14: {  	s2 =	sld [smem:$0x3F9C];
	s0 =	simm.s32 @p1 $0x1  }
0x15: {  	[smem:$0x3FB9] =	sst s0;
	s0 =	simm.s32 @!p2 $0x0  }
0x16: {  	s3 =	sld [smem:$0x3FDB];
	s0 =	simm.s32 @p2 $0x1  }
0x17: {  	s4 =	simm.s32 $0x1BF5;
	[smem:$0x3FBB] =	sst s0  }
0x18: {  	s0 =	sld [smem:$0x3F9E];
	_ =	swait.ge [sflag:s4], $0x0  }
0x19: {  	s7 =	sld [smem:$0x3F9F]  }
0x1a: {  	s8 =	sadd.s32 $0xFFFFE003, lr  }
0x1b: {  	s9 =	sadd.s32 $0xFFFFFEF7, lr;
	s5 =	simm.s32 $0xFFFFFFFF;
	p2 =	slt.u32 s8, $0xFFFFF086  }
0x1c: {  	p1 =	slt.u32 s9, $0xF7A;
	s5 =	simm.s32 @!p2 $0x0  }
0x1d: {  	s5 =	simm.s32 @p1 $0x1;
	p0 =	seq.s32 s7, s2  }
0x1e: {  	s7 =	smul.u32 @!p0 $0xF7A, s2;
	p2 =	seq.s32 @!p0 s5, $0x0  }
0x1f: {  	s9 =	smul.u32 $0xF7A, s1;
	s8 =	simm.s32 @!p0 $0x1BF5;
	p2 =	por !p2, p0  }
0x20: {  	[sflag:s8] =	ssyncset.s32 @!p0 $0xFFFFF086;
	s6 =	sadd.s32 @!p0 s3, s7;
	s7 =	simm.s32 @!p0 $0x108  }
0x21: {  	s3 =	sadd.s32 s3, s9;
	s6 =	sadd.s32 @!p0 $0x88, s6;
	s7 =	simm.s32 @p2 $0x1082  }
0x22: {  	[simem:s7], [sflag:s8] =	dma.local @!p0 [hbm:s6], $0xF7A  }
0x23: {  	s9 =	sor.u32 $0xD0000000, s2;
	s6 =	simm.s32 $0x108;
	_ =	swait.ge @!p0 [sflag:s8], $0x0  }
0x24: {  	s3 =	sadd.s32 $0x88, s3;
	s6 =	simm.s32 @!p1 $0x1082;
	[sflag:s4] =	ssyncset.s32 $0xFFFFF086  }
0x25: {  	[simem:s6], [sflag:s4] =	dma.local [hbm:s3], $0xF7A  }
0x26: {  	[smem:$0x3F9F] =	sst s1;
	(tag) =	ssettag s2;
	_ =	strace s9  }
0x27: {  	s1 =	sld [smem:$0x3FAF]  }
0x28: {  	s2 =	sld [smem:$0x3FB0]  }
0x29: {  	s4 =	sld [smem:$0x3FB2]  }
0x2a: {  	p0 =	seq.s32 s5, $0x0;
	s5 =	sld [smem:$0x3FB3]  }
0x2b: {  	s6 =	sld [smem:$0x3FB4]  }
0x2c: {  	s7 =	sld [smem:$0x3FB5]  }
0x2d: {  	s3 =	simm.s32 $0x108;
	s8 =	sld [smem:$0x3FB6]  }
0x2e: {  	s3 =	simm.s32 @!p0 $0x1082;
	s9 =	sld [smem:$0x3FB7]  }
0x2f: {  	lr =	sadd.s32 s0, s3;
	s0 =	sld [smem:$0x3FAE]  }
0x30: {  	s3 =	sld [smem:$0x3FB1]  }
0x31: {  	[smem:$0x3FBA] =	sst s10  }
0x32: {  	s10 =	sld [smem:$0x3FB8];
	_ =	sdelay $0x3  }
0x33: {  	p0 =	seq.s32 s10, $0x1;
	s10 =	sld [smem:$0x3FBA];
	_ =	sdelay $0x3  }
0x34: {  	[smem:$0x3FBA] =	sst s10  }
0x35: {  	s10 =	sld [smem:$0x3FB9];
	_ =	sdelay $0x3  }
0x36: {  	p1 =	seq.s32 s10, $0x1;
	s10 =	sld [smem:$0x3FBA];
	_ =	sdelay $0x3  }
0x37: {  	[smem:$0x3FBA] =	sst s10  }
0x38: {  	s10 =	sld [smem:$0x3FBB]  }
0x39: {  	_ = 	snop;
	(pc) =	sbr.ind lr, $3  }
0x3a: {  	_ = 	snop  }
0x3b: {  	_ = 	snop  }
0x3c: {  	p2 =	seq.s32 s10, $0x1;
	s10 =	sld [smem:$0x3FBA]  }
0x3d: {  	_ =	shalt  }
0x3e: {  	_ =	shalt  }
0x3f: {  	_ =	shalt  }
0x40: {  	_ =	shalt  }
0x41: {  	_ =	shalt  }
0x42: {  	_ =	shalt  }
0x43: {  	_ =	shalt  }
0x44: {  	_ =	shalt  }
0x45: {  	_ =	shalt  }
0x46: {  	_ =	shalt  }
0x47: {  	_ =	shalt  }
0x48: {  	_ =	shalt  }
0x49: {  	_ =	shalt  }
0x4a: {  	_ =	shalt  }
0x4b: {  	_ =	shalt  }
0x4c: {  	_ =	shalt  }
0x4d: {  	_ =	shalt  }
0x4e: {  	_ =	shalt  }
0x4f: {  	_ =	shalt  }
0x50: {  	_ =	shalt  }
0x51: {  	_ =	shalt  }
0x52: {  	_ =	shalt  }
0x53: {  	_ =	shalt  }
0x54: {  	_ =	shalt  }
0x55: {  	_ =	shalt  }
0x56: {  	_ =	shalt  }
0x57: {  	_ =	shalt  }
0x58: {  	_ =	shalt  }
0x59: {  	_ =	shalt  }
0x5a: {  	_ =	shalt  }
0x5b: {  	_ =	shalt  }
0x5c: {  	_ =	shalt  }
0x5d: {  	_ =	shalt  }
0x5e: {  	_ =	shalt  }
0x5f: {  	_ =	shalt  }
0x60: {  	_ =	shalt  }
0x61: {  	_ =	shalt  }
0x62: {  	_ =	shalt  }
0x63: {  	_ =	shalt  }
0x64: {  	_ =	shalt  }
0x65: {  	_ =	shalt  }
0x66: {  	_ =	shalt  }
0x67: {  	_ =	shalt  }
0x68: {  	_ =	shalt  }
0x69: {  	_ =	shalt  }
0x6a: {  	_ =	shalt  }
0x6b: {  	_ =	shalt  }
0x6c: {  	_ =	shalt  }
0x6d: {  	_ =	shalt  }
0x6e: {  	_ =	shalt  }
0x6f: {  	_ =	shalt  }
0x70: {  	_ =	shalt  }
0x71: {  	_ =	shalt  }
0x72: {  	_ =	shalt  }
0x73: {  	_ =	shalt  }
0x74: {  	_ =	shalt  }
0x75: {  	_ =	shalt  }
0x76: {  	_ =	shalt  }
0x77: {  	_ =	shalt  }
0x78: {  	_ =	shalt  }
0x79: {  	_ =	shalt  }
0x7a: {  	_ =	shalt  }
0x7b: {  	_ =	shalt  }
0x7c: {  	_ =	shalt  }
0x7d: {  	_ =	shalt  }
0x7e: {  	_ =	shalt  }
0x7f: {  	_ =	shalt  }
0x80: {  	_ =	shalt  }
0x81: {  	_ =	shalt  }
0x82: {  	_ =	shalt  }
0x83: {  	_ =	shalt  }
0x84: {  	_ =	shalt  }
0x85: {  	_ =	shalt  }
0x86: {  	_ =	shalt  }
0x87: {  	_ =	shalt  }
.Lfunc_end0:
.L_simem_size_0:
called_computation_lowered:
.L_overlay_start_0:
0x88: {  	s2 =	sld [smem:$0x3FD9]  }
0x89: {  	s3 =	sld [smem:$0x3FFE];
	_ =	sdelay $0x1  }
0x8a: {  	s1 =	srdreg.scid  }
0x8b: {  	s0 =	sand.u32 $0x1, s1  }
0x8c: {  	s17 =	sshll.u32 s0, $0xA;
	s2 =	sadd.s32 s3, s2  }
0x8d: {  	s2 =	sadd.s32 s2, s17  }
0x8e: {  	[smem:$0x3FC6] =	sst s2  }
0x8f: {  	_ = 	snop  }
0x90: {  	s2 =	sld [smem:$0x3FD0];
	(tm) =	ssettm $0x1  }
0x91: {  	s18 =	sld [smem:$0x3FFB];
	_ =	sdelay $0x3  }
0x92: {  	_ =	strace s18  }
0x93: {  	s3 =	sld [smem:$0x3FFC];
	_ =	sdelay $0x3  }
0x94: {  	_ =	strace s3  }
0x95: {  	s3 =	sld [smem:$0x3FFD];
	_ =	sdelay $0x3  }
0x96: {  	_ =	strace s3  }
0x97: {  	_ =	strace $0x8FFFFFFF  }
0x98: {  	s19 =	sld [smem:$0x3FDB];
	_ =	sdelay $0x1  }
0x99: {  	s4 =	simm.s32 $_scs_section_size  }
0x9a: {  	s5 =	simm.s32 $_size__tile_overlayer_lowered;
	s6 =	simm.s32 $_tile_overlayer_lowered  }
0x9b: {  	s22 =	simm.s32 $0x1BFF;
	s21 =	sshll.u32 s6, $0x1;
	s3 =	sadd.s32 s4, s19  }
0x9c: {  	s7 =	simm.s32 $0x0;
	s20 =	sshll.u32 s5, $0x1;
	s5 =	sadd.s32 s21, s3  }
0x9d: {  	[timem:s7], [sflag:s22] =	dma.local [hbm:s5], s20  }
0x9e: {  	_ =	swait.ge [sflag:s22], s20  }
0x9f: {  	s4 =	ssub.s32 $0x0, s20;
	[sflag:s22] =	ssyncset.done $0x0  }
0xa0: {  	[sflag:s22] =	ssyncadd.s32 s4;
	_ =	sdelay $0x1  }
0xa1: {  	s23 =	simm.s32 $0x1B8B  }
0xa2: {  	_ =	swait.ge [sflag:s23], $0x1  }
0xa3: {  	[sflag:s23] =	ssyncset.done $0x0  }
0xa4: {  	s25 =	simm.s32 $0x1B8E;
	s24 =	sld [smem:$0x3FFE];
	[sflag:s23] =	ssyncadd.s32 $0xFFFFFFFF  }
0xa5: {  	s26 =	simm.s32 $execute0_lowered;
	[smem:$0x3FD2] =	sst s25  }
0xa6: {  	s5 =	sshll.u32 s26, $0x1;
	_ =	strace $0x80000046;
	[dreg:$0x1] =	wrdreg $0xFFFFFFFF  }
0xa7: {  	s28 =	simm.s32 $_size_execute0_lowered;
	s3 =	sadd.s32 s3, s5;
	[dreg:$0x0] =	wrdreg $0x0  }
0xa8: {  	s5 =	sshll.u32 s28, $0x1;
	[dreg:$0x2] =	wrdreg s3  }
0xa9: {  	[dreg:$0x3] =	wrdreg s5  }
0xaa: {  	[dreg:$0x4] =	wrdreg $0xC0  }
0xab: {  	_ =	task [dreg:s7], $0x5FFFF  }
0xac: {  	[dreg:$0x1] =	wrdreg $0xFFFFFFFF  }
0xad: {  	[dreg:$0x0] =	wrdreg $0x60  }
0xae: {  	[dreg:$0x2] =	wrdreg s24  }
0xaf: {  	[dreg:$0x3] =	wrdreg s2  }
0xb0: {  	[dreg:$0x4] =	wrdreg $0x9  }
0xb1: {  	_ =	task.clear_ibuf [dreg:s7], $0x5FFFF;
	_ =	strace $0x90000046  }
0xb2: {  	s29 =	simm.s32 $0x9;
	_ =	strace $0x8000004F  }
0xb3: {  	_ =	swait.ge [sflag:s29], $0x1  }
0xb4: {  	[sflag:s29] =	ssyncadd.s32 $0xFFFFFFFF  }
0xb5: {  	_ =	strace $0x9000004F  }
0xb6: {  	_ =	sfence  }
0xb7: {  	s30 =	sld [smem:$0x0];
	_ =	sdelay $0x2  }
0xb8: {  	s31 =	sshll.u32 s1, $0xD;
	s1 =	sshrl.u32 s1, $0x2  }
0xb9: {  	s3 =	sand.u32 $0x4000, s31;
	s1 =	sadd.s32 s1, s30  }
0xba: {  	s0 =	sor.u32 s3, s0;
	s1 =	sshll.u32 s1, $0x11  }
0xbb: {  	s0 =	sor.u32 s1, s0  }
0xbc: {  	s0 =	sadd.s32 $0x8F2B, s0  }
0xbd: {  	[sflag:s0] =	ssyncadd.remote.s32 $0x1  }
0xbe: {  	_ =	sfence.sel $0xFFFF  }
0xbf: {  	[dreg:$0x0] =	wrdreg $0xFFFFFFFF;
	(pc) =	sbr.abs _section_cstart, $3  }
0xc0: {  	[dreg:$0x1] =	wrdreg $0xFFFFFFFF  }
0xc1: {  	_ =	task.clear_ibuf [dreg:s7], $0x2FFFF;
	_ =	strace $0x9FFFFFFF  }
0xc2: {  	(tm) =	ssettm $0x7FFFFFFF  }
0xc3: {  	_ =	shalt  }
tec
execute0_lowered:
.L_overlay_start_1:
0x0: {  	(tag) =	ssettag $0x1  }
0x1: {  	s6 =	rddreg [dreg:$0x0]  }
0x2: {  	s1 =	rddreg [dreg:$0x1];
	s2 =	srdreg.scid  }
0x3: {  	s0 =	rddreg [dreg:$0x2];
	s3 =	simm.s32 $0x0;
	s11 =	simm.s32 $0x0  }
0x4: {  	s8 =	sand.u32 $0x1, s2;
	[smem:$0x7FF] =	sst s3;
	s2 =	stileid.u32  }
0x5: {  	s4 =	sadd.s32 $0x400, s6;
	s9 =	sadd.s32 $0x2CBA00, s6;
	s5 =	sshll.u32 s8, $0x4  }
0x6: {  	_ =	strace $0x80000047;
	p0 =	seq.s32 s8, $0x0;
	s5 =	sor.u32 s2, s5  }
0x7: {  	s6 =	ssub.s32 $0x2, s8;
	s7 =	sshll.u32 s5, $0x1;
	s5 =	sadd.s32 $0x10, s5  }
0x8: {  	v2 =	vlaneseq.u32;
	[dreg:$0x3] =	wrdreg s9;
	s30 =	sshrl.u32 s6, $0x1;
	s5 =	smov.u32 @p0 s7  }
0x9: {  	vm0 =	vmmov $0xffff;
	v1 =	vshrl.u32 v2, $0x3;
	s8 =	sxor.u32 $0x1, s8;
	s10 =	ssub.s32 s6, s30;
	s31 =	sshll.u32 s5, $0x4  }
0xa: {  	v0 =	vand.u32 $0x7, v2;
	v2 =	vor.u32 $0x8, v2;
	v1 =	vmul.u32 $0x8, v1;
	s9 =	smax.u32 s10, $0x1;
	s10 =	simm.s32 $0x5;
	s7 =	sadd.s32 s1, s31  }
.LBB2_1:
0xb: {  	_ =	strace $0x80000048;
	s13 =	simm.s32 $0x0  }
0xc: {  	s12 =	simm.s32 $0x0;
	s14 =	simm.s32 $0x0;
	s15 =	simm.s32 $0x0  }
0xd: {  	[tilespmem:s3], [sflag:$0x1] =	stream.linear.gather [hbm4b:s7+s3], $0x80, $0x200038;
	[tilespmem:$0x10100] =	vst v63  }
0xe: {  	s16 =	simm.s32 $0x1;
	s17 =	simm.s32 $0x0;
	_ =	strace $0x90000048  }
.LBB2_2:
0xf: {  	s18 =	smov.u32 s13;
	s13 =	sadd.s32 $0x1, s13  }
0x10: {  	p1 =	seq.s32 s13, s6  }
0x11: {  	s13 =	simm.s32 @p1 $0x0  }
0x12: {  	p5 =	slt.u32 s17, s8;
	p2 =	sne.s32 s18, s13  }
0x13: {  	p1 =	por !p5, !p2  }
0x14: {  	p1 =	por !p1, !p1  }
0x15: {  	s19 =	sadd.s32 @p1 s5, s13  }
0x16: {  	s20 =	sand.u32 @p1 $0x1, s16;
	s19 =	sshll.u32 @p1 s19, $0x4  }
0x17: {  	_ =	strace @p1 $0x80000049;
	s22 =	simm.s32 @p1 $0x0;
	s19 =	sand.u32 @p1 $0x1FFFFFF0, s19  }
0x18: {  	s21 =	sshll.u32 @p1 s20, $0x7;
	s20 =	sadd.s32 @p1 $0x1, s20;
	s19 =	sadd.s32 @p1 s1, s19  }
0x19: {  	[tilespmem:s21], [sflag:s20] =	stream.linear.gather @p1 [hbm4b:s19+s22], $0x80, $0x200038;
	[tilespmem:$0x10100] =	vst v63  }
0x1a: {  	s23 =	sand.u32 $0x1, s15;
	_ =	strace @p1 $0x90000049  }
0x1b: {  	s19 =	sadd.s32 $0x1, s23;
	_ =	strace $0x8000004A  }
0x1c: {  	_ =	swait.ge [sflag:s19], $0x80  }
0x1d: {  	[sflag:s19] =	ssyncset.done $0x0  }
0x1e: {  	[sflag:s19] =	ssyncadd.s32 $0xFFFFFF80  }
0x1f: {  	s24 =	sshll.u32 s15, $0x7;
	_ =	strace $0x9000004A  }
0x20: {  	s22 =	sand.u32 $0x80, s24;
	_ =	strace $0x8000004B  }
0x21: {  	v3 =	vld [tilespmem:s22+$0x0];
	_ =	sdelay $0x4  }
0x22: {  	v4 =	vshll.u32 v3, $0x1  }
0x23: {  	v3 =	vand.u32 $0x7, v3;
	v4 =	vand.u32 $0xFFFFFFF0, v4  }
0x24: {  	v3 =	vor.u32 v3, v4  }
0x25: {  	v4 =	vperm.xlane v3, v0;
	_ =	sdelay $0x1  }
0x26: {  	v3 =	vperm.xlane v3, v2;
	v4 =	vadd.s32 v1, v4;
	_ =	sdelay $0x1  }
0x27: {  	s19 =	sand.u32 $0x1, s14;
	v3 =	vadd.s32 v1, v3  }
0x28: {  	s21 =	sshll.u32 s19, $0xF  }
0x29: {  	s20 =	sor.u32 $0x100, s21  }
0x2a: {  	[tilespmem:s20], [sflag:$0x5] =	stream.indirect_vreg.gather [hbm4b:s4+s3], $0x80, v4, vm0, $0x2000b8;
	[tilespmem:$0x10100] =	vst v63  }
0x2b: {  	s23 =	sor.u32 $0x900, s21  }
0x2c: {  	[tilespmem:s23], [sflag:$0x5] =	stream.indirect_vreg.gather [hbm4b:s4+s3], $0x80, v3, vm0, $0x2000b8;
	[tilespmem:$0x10100] =	vst v63  }
0x2d: {  	v3 =	vld [tilespmem:s22+$0x10];
	_ =	sdelay $0x4  }
0x2e: {  	v57 =	vshll.u32 v3, $0x1  }
0x2f: {  	v3 =	vand.u32 $0x7, v3;
	v4 =	vand.u32 $0xFFFFFFF0, v57  }
0x30: {  	v3 =	vor.u32 v3, v4  }
0x31: {  	v4 =	vperm.xlane v3, v0;
	_ =	sdelay $0x1  }
0x32: {  	v3 =	vperm.xlane v3, v2;
	v4 =	vadd.s32 v1, v4;
	_ =	sdelay $0x1  }
0x33: {  	v3 =	vadd.s32 v1, v3;
	_ =	sdelay $0x1  }
0x34: {  	s25 =	sor.u32 $0x1100, s21  }
0x35: {  	[tilespmem:s25], [sflag:$0x5] =	stream.indirect_vreg.gather [hbm4b:s4+s3], $0x80, v4, vm0, $0x2000b8;
	[tilespmem:$0x10100] =	vst v63  }
0x36: {  	s26 =	sor.u32 $0x1900, s21  }
0x37: {  	[tilespmem:s26], [sflag:$0x5] =	stream.indirect_vreg.gather [hbm4b:s4+s3], $0x80, v3, vm0, $0x2000b8;
	[tilespmem:$0x10100] =	vst v63  }
0x38: {  	v3 =	vld [tilespmem:s22+$0x20];
	_ =	sdelay $0x4  }
0x39: {  	v58 =	vshll.u32 v3, $0x1  }
0x3a: {  	v3 =	vand.u32 $0x7, v3;
	v4 =	vand.u32 $0xFFFFFFF0, v58  }
0x3b: {  	v3 =	vor.u32 v3, v4  }
0x3c: {  	v4 =	vperm.xlane v3, v0;
	_ =	sdelay $0x1  }
0x3d: {  	v3 =	vperm.xlane v3, v2;
	v4 =	vadd.s32 v1, v4;
	_ =	sdelay $0x1  }
0x3e: {  	v3 =	vadd.s32 v1, v3;
	_ =	sdelay $0x1  }
0x3f: {  	s28 =	sor.u32 $0x2100, s21  }
0x40: {  	[tilespmem:s28], [sflag:$0x5] =	stream.indirect_vreg.gather [hbm4b:s4+s3], $0x80, v4, vm0, $0x2000b8;
	[tilespmem:$0x10100] =	vst v63  }
0x41: {  	s29 =	sor.u32 $0x2900, s21  }
0x42: {  	[tilespmem:s29], [sflag:$0x5] =	stream.indirect_vreg.gather [hbm4b:s4+s3], $0x80, v3, vm0, $0x2000b8;
	[tilespmem:$0x10100] =	vst v63  }
0x43: {  	v3 =	vld [tilespmem:s22+$0x30];
	_ =	sdelay $0x4  }
0x44: {  	v59 =	vshll.u32 v3, $0x1  }
0x45: {  	v3 =	vand.u32 $0x7, v3;
	v4 =	vand.u32 $0xFFFFFFF0, v59  }
0x46: {  	v3 =	vor.u32 v3, v4  }
0x47: {  	v4 =	vperm.xlane v3, v0;
	_ =	sdelay $0x1  }
0x48: {  	v3 =	vperm.xlane v3, v2;
	v4 =	vadd.s32 v1, v4;
	_ =	sdelay $0x1  }
0x49: {  	v3 =	vadd.s32 v1, v3;
	_ =	sdelay $0x1  }
0x4a: {  	s30 =	sor.u32 $0x3100, s21  }
0x4b: {  	[tilespmem:s30], [sflag:$0x5] =	stream.indirect_vreg.gather [hbm4b:s4+s3], $0x80, v4, vm0, $0x2000b8;
	[tilespmem:$0x10100] =	vst v63  }
0x4c: {  	s31 =	sor.u32 $0x3900, s21  }
0x4d: {  	[tilespmem:s31], [sflag:$0x5] =	stream.indirect_vreg.gather [hbm4b:s4+s3], $0x80, v3, vm0, $0x2000b8;
	[tilespmem:$0x10100] =	vst v63  }
0x4e: {  	v3 =	vld [tilespmem:s22+$0x40];
	_ =	sdelay $0x4  }
0x4f: {  	v60 =	vshll.u32 v3, $0x1  }
0x50: {  	v3 =	vand.u32 $0x7, v3;
	v4 =	vand.u32 $0xFFFFFFF0, v60  }
0x51: {  	v3 =	vor.u32 v3, v4  }
0x52: {  	v4 =	vperm.xlane v3, v0;
	_ =	sdelay $0x1  }
0x53: {  	v3 =	vperm.xlane v3, v2;
	v4 =	vadd.s32 v1, v4;
	_ =	sdelay $0x1  }
0x54: {  	v3 =	vadd.s32 v1, v3;
	_ =	sdelay $0x1  }
0x55: {  	s24 =	sor.u32 $0x4100, s21  }
0x56: {  	[tilespmem:s24], [sflag:$0x5] =	stream.indirect_vreg.gather [hbm4b:s4+s3], $0x80, v4, vm0, $0x2000b8;
	[tilespmem:$0x10100] =	vst v63  }
0x57: {  	s25 =	sor.u32 $0x4900, s21  }
0x58: {  	[tilespmem:s25], [sflag:$0x5] =	stream.indirect_vreg.gather [hbm4b:s4+s3], $0x80, v3, vm0, $0x2000b8;
	[tilespmem:$0x10100] =	vst v63  }
0x59: {  	v3 =	vld [tilespmem:s22+$0x50];
	_ =	sdelay $0x4  }
0x5a: {  	v61 =	vshll.u32 v3, $0x1  }
0x5b: {  	v3 =	vand.u32 $0x7, v3;
	v4 =	vand.u32 $0xFFFFFFF0, v61  }
0x5c: {  	v3 =	vor.u32 v3, v4  }
0x5d: {  	v4 =	vperm.xlane v3, v0;
	_ =	sdelay $0x1  }
0x5e: {  	v3 =	vperm.xlane v3, v2;
	v4 =	vadd.s32 v1, v4;
	_ =	sdelay $0x1  }
0x5f: {  	v3 =	vadd.s32 v1, v3;
	_ =	sdelay $0x1  }
0x60: {  	s26 =	sor.u32 $0x5100, s21  }
0x61: {  	[tilespmem:s26], [sflag:$0x5] =	stream.indirect_vreg.gather [hbm4b:s4+s3], $0x80, v4, vm0, $0x2000b8;
	[tilespmem:$0x10100] =	vst v63  }
0x62: {  	s28 =	sor.u32 $0x5900, s21  }
0x63: {  	[tilespmem:s28], [sflag:$0x5] =	stream.indirect_vreg.gather [hbm4b:s4+s3], $0x80, v3, vm0, $0x2000b8;
	[tilespmem:$0x10100] =	vst v63  }
0x64: {  	v3 =	vld [tilespmem:s22+$0x60];
	_ =	sdelay $0x4  }
0x65: {  	v62 =	vshll.u32 v3, $0x1  }
0x66: {  	v3 =	vand.u32 $0x7, v3;
	v4 =	vand.u32 $0xFFFFFFF0, v62  }
0x67: {  	v3 =	vor.u32 v3, v4  }
0x68: {  	v4 =	vperm.xlane v3, v0;
	_ =	sdelay $0x1  }
0x69: {  	v3 =	vperm.xlane v3, v2;
	v4 =	vadd.s32 v1, v4;
	_ =	sdelay $0x1  }
0x6a: {  	v3 =	vadd.s32 v1, v3;
	_ =	sdelay $0x1  }
0x6b: {  	s29 =	sor.u32 $0x6100, s21  }
0x6c: {  	[tilespmem:s29], [sflag:$0x5] =	stream.indirect_vreg.gather [hbm4b:s4+s3], $0x80, v4, vm0, $0x2000b8;
	[tilespmem:$0x10100] =	vst v63  }
0x6d: {  	s30 =	sor.u32 $0x6900, s21  }
0x6e: {  	[tilespmem:s30], [sflag:$0x5] =	stream.indirect_vreg.gather [hbm4b:s4+s3], $0x80, v3, vm0, $0x2000b8;
	[tilespmem:$0x10100] =	vst v63  }
0x6f: {  	v3 =	vld [tilespmem:s22+$0x70];
	_ =	sdelay $0x4  }
0x70: {  	v63 =	vshll.u32 v3, $0x1  }
0x71: {  	v3 =	vand.u32 $0x7, v3;
	v4 =	vand.u32 $0xFFFFFFF0, v63  }
0x72: {  	v3 =	vor.u32 v3, v4  }
0x73: {  	v4 =	vperm.xlane v3, v0;
	_ =	sdelay $0x1  }
0x74: {  	v3 =	vperm.xlane v3, v2;
	v4 =	vadd.s32 v1, v4;
	_ =	sdelay $0x1  }
0x75: {  	v3 =	vadd.s32 v1, v3;
	_ =	sdelay $0x1  }
0x76: {  	s31 =	sor.u32 $0x7100, s21  }
0x77: {  	[tilespmem:s31], [sflag:$0x5] =	stream.indirect_vreg.gather [hbm4b:s4+s3], $0x80, v4, vm0, $0x2000b8;
	[tilespmem:$0x10100] =	vst v63  }
0x78: {  	s21 =	sor.u32 $0x7900, s21  }
0x79: {  	[tilespmem:s21], [sflag:$0x5] =	stream.indirect_vreg.gather [hbm4b:s4+s3], $0x80, v3, vm0, $0x2000b8;
	[tilespmem:$0x10100] =	vst v63  }
0x7a: {  	_ =	swait.ge [sflag:s10], $0x8000  }
0x7b: {  	p3 =	seq.s32 s8, s17;
	[sflag:s10] =	ssyncset.done $0x0  }
0x7c: {  	p4 =	sne.s32 s17, $0x0;
	s17 =	sadd.s32 $0x1, s17;
	[sflag:s10] =	ssyncadd.s32 $0xFFFF8000  }
0x7d: {  	p2 =	por p3, p2;
	s21 =	sadd.s32 s5, s18;
	_ =	strace $0x9000004B  }
0x7e: {  	p6 =	sne.s32 s18, $0x0;
	s21 =	sshll.u32 @p2 s21, $0xC;
	_ =	strace @p2 $0x8000004C  }
0x7f: {  	p3 =	por p0, p6;
	s18 =	sand.u32 @p2 $0x1FFFF000, s21;
	s22 =	rddreg [dreg:$0x3]  }
0x80: {  	s19 =	sadd.s32 @p2 $0x3, s19;
	s21 =	simm.s32 @p2 $0x0;
	s18 =	sadd.s32 @p2 s22, s18  }
0x81: {  	[hbm4b:s18+s21] =	stream.linear.scatter @p2 [tilespmem:s20], [sflag:s19], $0x8000, $0x200038;
	[tilespmem:$0x10100] =	vst v63  }
0x82: {  	p3 =	por !p4, !p3;
	s18 =	simm.s32 $0x1;
	s19 =	simm.s32 $0x1  }
0x83: {  	s18 =	simm.s32 @!p1 $0x0;
	p1 =	por !p3, !p3;
	_ =	strace @p2 $0x9000004C  }
0x84: {  	s19 =	simm.s32 @!p2 $0x0;
	p2 =	sne.s32 s6, s17;
	s20 =	sand.u32 @p1 $0x1, s12  }
.Ltmp0:
0x85: {  	_ =	strace @p1 $0x8000004D;
	s20 =	sadd.s32 @p1 $0x3, s20;
	(pc) =	sbr.rel @p2 .LBB2_2-.Ltmp0, $4  }
0x86: {  	_ =	swait.ge @p1 [sflag:s20], $0x8000  }
0x87: {  	s16 =	sadd.s32 s18, s16;
	s18 =	simm.s32 $0x1;
	[sflag:s20] =	ssyncset.done @p1 $0x0  }
0x88: {  	s14 =	sadd.s32 s19, s14;
	s18 =	simm.s32 @!p1 $0x0;
	[sflag:s20] =	ssyncadd.s32 @p1 $0xFFFF8000  }
0x89: {  	s15 =	sadd.s32 s19, s15;
	s12 =	sadd.s32 s18, s12;
	_ =	strace @p1 $0x9000004D  }
0x8a: {  	s11 =	sadd.s32 $0x1, s11  }
0x8b: {  	s12 =	sand.u32 $0x1, s12;
	p1 =	sne.s32 s11, s9  }
.Ltmp1:
0x8c: {  	_ =	strace $0x8000004E;
	s12 =	sadd.s32 $0x3, s12;
	(pc) =	sbr.rel @p1 .LBB2_1-.Ltmp1, $4  }
0x8d: {  	_ =	swait.ge [sflag:s12], $0x8000  }
0x8e: {  	[sflag:s12] =	ssyncset.done $0x0  }
0x8f: {  	[sflag:s12] =	ssyncadd.s32 $0xFFFF8000  }
0x90: {  	_ =	strace $0x9000004E  }
0x91: {  	_ =	sfence.sel $0x180000  }
0x92: {  	[bflag:$0x0] =	sbarrier.arrive $0xFFFF  }
0x93: {  	p0 =	sne.s32 s2, $0x0;
	_ =	strace $0x90000047  }
0x94: {  	s0 =	sadd.s32 @!p0 $0x100000, s0;
	[bflag:$0x2] =	sbarrier.arrive $0xFFFF  }
0x95: {  	[sflag:s0] =	ssyncadd.tile.s32 @!p0 $0x1;
	_ =	shalt  }
.Lfunc_end2:
_tile_overlayer_lowered:
.L_overlay_start_2:
0x96: {  	(tag) =	ssettag $0x2  }
0x97: {  	s0 =	rddreg [dreg:$0x0];
	s2 =	stileid.u32  }
0x98: {  	s1 =	rddreg [dreg:$0x1];
	p0 =	sne.s32 s2, $0x0  }
0x99: {  	s3 =	rddreg [dreg:$0x2];
	[bflag:$0x3] =	sbarrier.arrive $0xFFFF;
	s2 =	simm.s32 @!p0 $0x1C01  }
0x9a: {  	[timem:s3], [sflag:s2] =	dma.local @!p0 [hbm:s0], s1  }
0x9b: {  	s0 =	simm.s32 @!p0 $0x1  }
0x9c: {  	_ =	swait.ge @!p0 [sflag:s0], s1  }
0x9d: {  	s1 =	ssub.s32 @!p0 $0x0, s1;
	[sflag:s0] =	ssyncset.done @!p0 $0x0  }
0x9e: {  	[sflag:s0] =	ssyncadd.s32 @!p0 s1  }
0x9f: {  	[bflag:$0x3] =	sbarrier.arrive $0xFFFF  }
0xa0: {  	_ =	shalt  }

</sc_bundles>
